<compile_context>
chip_gen: v7x
topology: tpu7x:2x2x1
jax: 0.10.2.dev20260603
libtpu: 0.0.44.dev20260713+nightly
codegen_flags: <defaults>
</compile_context>

<pallas_src>
import functools

import jax
import jax.numpy as jnp
from jax import lax
from jax.experimental import pallas as pl
from jax.experimental.pallas import tpu as pltpu
from jax.experimental.pallas import tpu_sc as plsc

K = 16
BQ = 512
CPAD = 8
SCR = 1536
NW = 32


def _knn_block(pts_nc_ref, pts_cn_ref, idx_ref, *, n):
    b = pl.program_id(0) // (n // BQ)
    q = pts_nc_ref[0]
    p = pts_cn_ref[0]
    sq_q = jnp.sum(q * q, axis=1, keepdims=True)
    sq_p = jnp.sum(p * p, axis=0, keepdims=True)
    inner = jax.lax.dot_general(
        q, p, (((1,), (0,)), ((), ())),
        preferred_element_type=jnp.float32)
    d = sq_q + sq_p - 2.0 * inner
    iota = jax.lax.broadcasted_iota(jnp.int32, (BQ, n), 1).astype(jnp.float32)
    nf = jnp.float32(n)
    cols = []
    for _ in range(K):
        m = jnp.min(d, axis=1, keepdims=True)
        cand = jnp.where(d <= m, iota, nf)
        a = jnp.min(cand, axis=1, keepdims=True)
        cols.append(a)
        d = jnp.where(iota == a, jnp.float32(jnp.inf), d)
    idx = jnp.concatenate(cols, axis=1).astype(jnp.int32)
    idx_ref[0] = idx + b * n


def _tc_knn(points, nblk):
    B, N, C = points.shape
    bpb = N // BQ
    pts_nc = jnp.pad(points, ((0, 0), (0, 0), (0, CPAD - C)))
    pts_cn = jnp.transpose(pts_nc, (0, 2, 1))
    return pl.pallas_call(
        functools.partial(_knn_block, n=N),
        grid=(nblk,),
        in_specs=[
            pl.BlockSpec((1, BQ, CPAD), lambda t: (t // bpb, t % bpb, 0)),
            pl.BlockSpec((1, CPAD, N), lambda t: (t // bpb, 0, 0)),
        ],
        out_specs=pl.BlockSpec((1, BQ, K), lambda t: (t // bpb, t % bpb, 0)),
        out_shape=jax.ShapeDtypeStruct((B, N, K), jnp.int32),
    )(pts_nc, pts_cn)


def _sc_knn(xb, yb, zb, sq, b0, scr, n):
    rpw = scr // NW
    nchunk = n // 16
    mesh = plsc.VectorSubcoreMesh(core_axis_name="c", subcore_axis_name="s")

    @functools.partial(
        pl.kernel, mesh=mesh,
        out_type=jax.ShapeDtypeStruct((scr * K,), jnp.int32),
        scratch_types=[
            pltpu.VMEM((n,), jnp.float32),
            pltpu.VMEM((n,), jnp.float32),
            pltpu.VMEM((n,), jnp.float32),
            pltpu.VMEM((n,), jnp.float32),
            pltpu.VMEM((rpw * K,), jnp.int32),
            pltpu.VMEM((K,), jnp.float32),
            pltpu.VMEM((K,), jnp.int32),
        ],
    )
    def sc_kernel(xb_hbm, yb_hbm, zb_hbm, sq_hbm, out_hbm,
                  xv, yv, zv, sv, ov, bdv, biv):
        wid = lax.axis_index("s") * 2 + lax.axis_index("c")
        pltpu.sync_copy(xb_hbm, xv)
        pltpu.sync_copy(yb_hbm, yv)
        pltpu.sync_copy(zb_hbm, zv)
        pltpu.sync_copy(sq_hbm, sv)
        r0 = (n - scr) + wid * rpw
        goff = b0 * n

        def row_body(rl, carry):
            r = r0 + rl
            g16 = pl.multiple_of((r // 16) * 16, 16)
            lane16 = lax.iota(jnp.int32, 16)
            lane = jnp.broadcast_to(r - g16, (16,))
            qx = xv[pl.ds(g16, 16)][lane]
            qy = yv[pl.ds(g16, 16)][lane]
            qz = zv[pl.ds(g16, 16)][lane]
            sqq = sv[pl.ds(g16, 16)][lane]

            ones = jnp.broadcast_to(1, (16,))
            zeros = jnp.broadcast_to(0, (16,))

            def b2i(m):
                return jnp.where(m, ones, zeros)

            def lex_lt_i(kk, kb, vv, vb):
                return b2i(kk < kb) | (b2i(kk == kb) & b2i(vv < vb))

            def sort16(kk, vv):
                for kbit in (2, 4, 8, 16):
                    s = kbit // 2
                    while s >= 1:
                        prt = jnp.bitwise_xor(lane16, s)
                        kb = kk[prt]
                        vb = vv[prt]
                        lt = lex_lt_i(kk, kb, vv, vb)
                        mm = ones ^ b2i((lane16 & s) == 0) ^ b2i((lane16 & kbit) == 0)
                        keep = (mm ^ lt) == 0
                        kk = jnp.where(keep, kk, kb)
                        vv = jnp.where(keep, vv, vb)
                        s //= 2
                return kk, vv

            def chunk_body(j, carry):
                o = pl.multiple_of(j * 16, 16)
                px = xv[pl.ds(o, 16)]
                py = yv[pl.ds(o, 16)]
                pz = zv[pl.ds(o, 16)]
                sp = sv[pl.ds(o, 16)]
                inner = (qx * px + qy * py) + qz * pz
                d = (sqq + sp) - 2.0 * inner
                mn = d
                for s in (8, 4, 2, 1):
                    mn = jnp.minimum(mn, mn[jnp.bitwise_xor(lane16, s)])

                @pl.when(mn[0] < bdv[...][15])
                def _merge():
                    ck, cv = sort16(d, j * 16 + lane16)
                    rev = 15 - lane16
                    ckr = ck[rev]
                    cvr = cv[rev]
                    bd = bdv[...]
                    bi = biv[...]
                    takeb = bd <= ckr
                    kk = jnp.where(takeb, bd, ckr)
                    vv = jnp.where(takeb, bi, cvr)
                    for s in (8, 4, 2, 1):
                        prt = jnp.bitwise_xor(lane16, s)
                        kb = kk[prt]
                        vb = vv[prt]
                        lt = lex_lt_i(kk, kb, vv, vb)
                        keep = (b2i((lane16 & s) == 0) ^ lt) == 0
                        kk = jnp.where(keep, kk, kb)
                        vv = jnp.where(keep, vv, vb)
                    bdv[...] = kk
                    biv[...] = vv

                return carry

            bdv[...] = jnp.full((16,), jnp.inf, jnp.float32)
            biv[...] = jnp.zeros((16,), jnp.int32)
            lax.fori_loop(0, nchunk, chunk_body, 0)
            ov[pl.ds(rl * K, K)] = biv[...] + goff
            return carry

        lax.fori_loop(0, rpw, row_body, 0)
        pltpu.sync_copy(ov, out_hbm.at[pl.ds(wid * rpw * K, rpw * K)])

    return sc_kernel(xb, yb, zb, sq, )


def kernel(points):
    B, N, C = points.shape
    parts = []
    if SCR > 0:
        pts_sc = points[B - 1]
        u = jax.lax.bitcast_convert_type(pts_sc, jnp.uint32)
        rnd = ((u >> 16) & jnp.uint32(1)) + jnp.uint32(0x7FFF)
        pb = jax.lax.bitcast_convert_type(
            (u + rnd) & jnp.uint32(0xFFFF0000), jnp.float32)
        sq = jnp.sum(pts_sc * pts_sc, axis=-1)
        sc_dst = _sc_knn(pb[:, 0], pb[:, 1], pb[:, 2], sq, B - 1, SCR, N)
    nblk = (B * N - SCR) // BQ
    tc_dst = _tc_knn(points, nblk).reshape(-1)[:nblk * BQ * K]
    parts.append(tc_dst)
    if SCR > 0:
        parts.append(sc_dst)
    dst = jnp.concatenate(parts) if len(parts) > 1 else parts[0]
    src = jnp.broadcast_to(
        jnp.arange(B * N, dtype=jnp.int32).reshape(B * N, 1), (B * N, K))
    return jnp.stack([src.reshape(-1), dst.reshape(-1)], axis=0)

# --- scband reference (transcript-rebuilt; emitter-appended) ---
"""Pipeline reference for scband-get-knn-graph-57251914056096 (READ-ONLY COPY).

The authoritative reference and input builder live on the scoring server;
editing this copy changes nothing except your own understanding.
"""

import jax, jax.numpy as jnp
import numpy as np

K = 16

def setup_inputs(seed: int = 0) -> dict:
    key = jax.random.key(seed)
    points = jax.random.normal(key, (8, 2048, 3), dtype=jnp.float32)
    return {"points": points}

def reference(points):
    B, N, C = points.shape
    k = min(K, N)
    # pairwise squared euclidean distances ||xi - xj||^2 (same math as sum((coords - point)**2))
    sq = jnp.sum(points * points, axis=-1)  # [B, N]
    inner = jnp.einsum('bnc,bmc->bnm', points, points)  # [B, N, N]
    dist = sq[:, :, None] + sq[:, None, :] - 2.0 * inner  # [B, N, N]
    # k smallest distances == top_k of negated distances
    neg_d, idx = jax.lax.top_k(-dist, k)  # idx: [B, N, k]
    # random_rate == 1.0 -> no neighbor subsampling
    batch_off = (jnp.arange(B, dtype=jnp.int64).reshape(-1, 1, 1)) * N  # [B,1,1]
    source = jnp.arange(N, dtype=jnp.int64).reshape(1, -1, 1)  # [1,N,1]
    src = jnp.broadcast_to(batch_off + source, (B, N, k)).reshape(-1)
    dst = (batch_off + idx.astype(jnp.int64)).reshape(-1)
    edge_index = jnp.stack([src, dst], axis=0)  # [2, B*N*k]
    return edge_index

if __name__ == "__main__":
    import jax
    _d = setup_inputs()
    print(jax.jit(kernel)(*tuple(_d.values())))

</pallas_src>

<mosaic_0001>
#map = affine_map<(d0, d1) -> (0)>
module attributes {stable_mosaic.version = 14 : i64} {
  func.func @sc_kernel(%arg0: i32, %arg1: i32, %arg2: memref<2048xf32, #tpu.memory_space<hbm>>, %arg3: memref<2048xf32, #tpu.memory_space<hbm>>, %arg4: memref<2048xf32, #tpu.memory_space<hbm>>, %arg5: memref<2048xf32, #tpu.memory_space<hbm>>, %arg6: memref<24576xi32, #tpu.memory_space<hbm>>, %arg7: memref<2048xf32, #tpu.memory_space<vmem>>, %arg8: memref<2048xf32, #tpu.memory_space<vmem>>, %arg9: memref<2048xf32, #tpu.memory_space<vmem>>, %arg10: memref<2048xf32, #tpu.memory_space<vmem>>, %arg11: memref<768xi32, #tpu.memory_space<vmem>>, %arg12: memref<16xf32, #tpu.memory_space<vmem>>, %arg13: memref<16xi32, #tpu.memory_space<vmem>>) attributes {dimension_semantics = [#tpu.dimension_semantics<core_parallel>, #tpu.dimension_semantics<subcore_parallel>], iteration_bounds = array<i64: 2, 16>, scalar_prefetch = 0 : i64, scratch_operands = 7 : i64, tpu.core_type = #tpu.core_type<sc_vector_subcore>, window_params = [{transform_indices = #map}, {transform_indices = #map}, {transform_indices = #map}, {transform_indices = #map}, {transform_indices = #map}]} {
    %mul3A = arith.constant 2 : i32
    %mul3A_0 = arith.muli %arg1, %mul3A : i32
    %add3A = arith.addi %mul3A_0, %arg0 : i32
    "tpu.region"() ({
      %run_scoped3A = tpu.sem_alloc : memref<!tpu.dma_semaphore, #tpu.memory_space<semaphore_mem>>
      tpu.enqueue_dma source(%arg2 : memref<2048xf32, #tpu.memory_space<hbm>>) target(%arg7 : memref<2048xf32, #tpu.memory_space<vmem>>) target_semaphore(%run_scoped3A : memref<!tpu.dma_semaphore, #tpu.memory_space<semaphore_mem>>)
      tpu.wait_dma2 semaphore(%run_scoped3A : memref<!tpu.dma_semaphore, #tpu.memory_space<semaphore_mem>>) src(%arg2 : memref<2048xf32, #tpu.memory_space<hbm>>) dst(%arg7 : memref<2048xf32, #tpu.memory_space<vmem>>)
      tpu.yield
    }) : () -> ()
    "tpu.region"() ({
      %run_scoped3A = tpu.sem_alloc : memref<!tpu.dma_semaphore, #tpu.memory_space<semaphore_mem>>
      tpu.enqueue_dma source(%arg3 : memref<2048xf32, #tpu.memory_space<hbm>>) target(%arg8 : memref<2048xf32, #tpu.memory_space<vmem>>) target_semaphore(%run_scoped3A : memref<!tpu.dma_semaphore, #tpu.memory_space<semaphore_mem>>)
      tpu.wait_dma2 semaphore(%run_scoped3A : memref<!tpu.dma_semaphore, #tpu.memory_space<semaphore_mem>>) src(%arg3 : memref<2048xf32, #tpu.memory_space<hbm>>) dst(%arg8 : memref<2048xf32, #tpu.memory_space<vmem>>)
      tpu.yield
    }) : () -> ()
    "tpu.region"() ({
      %run_scoped3A = tpu.sem_alloc : memref<!tpu.dma_semaphore, #tpu.memory_space<semaphore_mem>>
      tpu.enqueue_dma source(%arg4 : memref<2048xf32, #tpu.memory_space<hbm>>) target(%arg9 : memref<2048xf32, #tpu.memory_space<vmem>>) target_semaphore(%run_scoped3A : memref<!tpu.dma_semaphore, #tpu.memory_space<semaphore_mem>>)
      tpu.wait_dma2 semaphore(%run_scoped3A : memref<!tpu.dma_semaphore, #tpu.memory_space<semaphore_mem>>) src(%arg4 : memref<2048xf32, #tpu.memory_space<hbm>>) dst(%arg9 : memref<2048xf32, #tpu.memory_space<vmem>>)
      tpu.yield
    }) : () -> ()
    "tpu.region"() ({
      %run_scoped3A = tpu.sem_alloc : memref<!tpu.dma_semaphore, #tpu.memory_space<semaphore_mem>>
      tpu.enqueue_dma source(%arg5 : memref<2048xf32, #tpu.memory_space<hbm>>) target(%arg10 : memref<2048xf32, #tpu.memory_space<vmem>>) target_semaphore(%run_scoped3A : memref<!tpu.dma_semaphore, #tpu.memory_space<semaphore_mem>>)
      tpu.wait_dma2 semaphore(%run_scoped3A : memref<!tpu.dma_semaphore, #tpu.memory_space<semaphore_mem>>) src(%arg5 : memref<2048xf32, #tpu.memory_space<hbm>>) dst(%arg10 : memref<2048xf32, #tpu.memory_space<vmem>>)
      tpu.yield
    }) : () -> ()
    %mul3A_1 = arith.constant 48 : i32
    %mul3A_2 = arith.muli %add3A, %mul3A_1 : i32
    %add3A_3 = arith.constant 512 : i32
    %add3A_4 = arith.addi %add3A_3, %mul3A_2 : i32
    %scan3A = arith.constant 0 : i32
    %scan3A_5 = arith.constant 0 : i32
    %scan3A_6 = arith.constant 48 : i32
    %scan3A_7 = arith.addi %scan3A_5, %scan3A_6 : i32
    %scan3A_8 = arith.constant 1 : i32
    scf.for %scan3A_14 = %scan3A_5 to %scan3A_7 step %scan3A_8  : i32 {
      %add3A_15 = arith.addi %add3A_4, %scan3A_14 : i32
      %jit3A = arith.constant 16 : i32
      %div3A = arith.divsi %add3A_15, %jit3A : i32
      %sign3A = arith.constant 0 : i32
      %sign3A_16 = arith.cmpi sgt, %add3A_15, %sign3A : i32
      %sign3A_17 = arith.extui %sign3A_16 : i1 to i32
      %sign3A_18 = arith.constant 0 : i32
      %sign3A_19 = arith.cmpi slt, %add3A_15, %sign3A_18 : i32
      %sign3A_20 = arith.extui %sign3A_19 : i1 to i32
      %sign3A_21 = arith.subi %sign3A_17, %sign3A_20 : i32
      %sign3A_22 = arith.constant 0 : i32
      %sign3A_23 = arith.cmpi sgt, %jit3A, %sign3A_22 : i32
      %sign3A_24 = arith.extui %sign3A_23 : i1 to i32
      %sign3A_25 = arith.constant 0 : i32
      %sign3A_26 = arith.cmpi slt, %jit3A, %sign3A_25 : i32
      %sign3A_27 = arith.extui %sign3A_26 : i1 to i32
      %sign3A_28 = arith.subi %sign3A_24, %sign3A_27 : i32
      %ne3A = arith.cmpi ne, %sign3A_21, %sign3A_28 : i32
      %rem3A = arith.remsi %add3A_15, %jit3A : i32
      %ne3A_29 = arith.constant 0 : i32
      %ne3A_30 = arith.cmpi ne, %rem3A, %ne3A_29 : i32
      %and3A = arith.andi %ne3A, %ne3A_30 : i1
      %sub3A = arith.constant 1 : i32
      %sub3A_31 = arith.subi %div3A, %sub3A : i32
      %select_n3A = arith.select %and3A, %sub3A_31, %div3A : i32
      %mul3A_32 = arith.constant 16 : i32
      %mul3A_33 = arith.muli %select_n3A, %mul3A_32 : i32
      %multiple_of3A = tpu.assume_multiple %mul3A_33, 16 : i32
      %iota3A = tpu.iota {dimensions = array<i32: 0>} : vector<16xi32>
      %sub3A_34 = arith.subi %add3A_15, %multiple_of3A : i32
      %broadcast_in_dim3A = vector.broadcast %sub3A_34 : i32 to vector<16xi32>
      %get3A = arith.index_cast %multiple_of3A : i32 to index
      %get3A_35 = tpu.vector_load %arg7[%get3A] {strides = array<i32>} : memref<2048xf32, #tpu.memory_space<vmem>>, vector<16xf32>,
      %get3A_36 = vector.shape_cast %get3A_35 : vector<16xf32> to vector<16xf32>
      %lt3A = arith.constant 0 : i32
      %lt3A_37 = vector.broadcast %lt3A : i32 to vector<16xi32>
      %lt3A_38 = arith.cmpi slt, %broadcast_in_dim3A, %lt3A_37 : vector<16xi32>
      %add3A_39 = arith.constant 16 : i32
      %add3A_40 = vector.broadcast %add3A_39 : i32 to vector<16xi32>
      %add3A_41 = arith.addi %broadcast_in_dim3A, %add3A_40 : vector<16xi32>
      %select_n3A_42 = arith.select %lt3A_38, %add3A_41, %broadcast_in_dim3A : vector<16xi1>, vector<16xi32>
      %broadcast_in_dim3A_43 = vector.shape_cast %select_n3A_42 : vector<16xi32> to vector<16x1xi32>
      %gather3A = vector.shape_cast %broadcast_in_dim3A_43 : vector<16x1xi32> to vector<16xi32>
      %gather3A_44 = tpu.dynamic_gather %get3A_36[%gather3A] in [0] : vector<16xf32>, vector<16xi32> -> vector<16xf32>
      %get3A_45 = arith.index_cast %multiple_of3A : i32 to index
      %get3A_46 = tpu.vector_load %arg8[%get3A_45] {strides = array<i32>} : memref<2048xf32, #tpu.memory_space<vmem>>, vector<16xf32>,
      %get3A_47 = vector.shape_cast %get3A_46 : vector<16xf32> to vector<16xf32>
      %lt3A_48 = arith.constant 0 : i32
      %lt3A_49 = vector.broadcast %lt3A_48 : i32 to vector<16xi32>
      %lt3A_50 = arith.cmpi slt, %broadcast_in_dim3A, %lt3A_49 : vector<16xi32>
      %add3A_51 = arith.constant 16 : i32
      %add3A_52 = vector.broadcast %add3A_51 : i32 to vector<16xi32>
      %add3A_53 = arith.addi %broadcast_in_dim3A, %add3A_52 : vector<16xi32>
      %select_n3A_54 = arith.select %lt3A_50, %add3A_53, %broadcast_in_dim3A : vector<16xi1>, vector<16xi32>
      %broadcast_in_dim3A_55 = vector.shape_cast %select_n3A_54 : vector<16xi32> to vector<16x1xi32>
      %gather3A_56 = vector.shape_cast %broadcast_in_dim3A_55 : vector<16x1xi32> to vector<16xi32>
      %gather3A_57 = tpu.dynamic_gather %get3A_47[%gather3A_56] in [0] : vector<16xf32>, vector<16xi32> -> vector<16xf32>
      %get3A_58 = arith.index_cast %multiple_of3A : i32 to index
      %get3A_59 = tpu.vector_load %arg9[%get3A_58] {strides = array<i32>} : memref<2048xf32, #tpu.memory_space<vmem>>, vector<16xf32>,
      %get3A_60 = vector.shape_cast %get3A_59 : vector<16xf32> to vector<16xf32>
      %lt3A_61 = arith.constant 0 : i32
      %lt3A_62 = vector.broadcast %lt3A_61 : i32 to vector<16xi32>
      %lt3A_63 = arith.cmpi slt, %broadcast_in_dim3A, %lt3A_62 : vector<16xi32>
      %add3A_64 = arith.constant 16 : i32
      %add3A_65 = vector.broadcast %add3A_64 : i32 to vector<16xi32>
      %add3A_66 = arith.addi %broadcast_in_dim3A, %add3A_65 : vector<16xi32>
      %select_n3A_67 = arith.select %lt3A_63, %add3A_66, %broadcast_in_dim3A : vector<16xi1>, vector<16xi32>
      %broadcast_in_dim3A_68 = vector.shape_cast %select_n3A_67 : vector<16xi32> to vector<16x1xi32>
      %gather3A_69 = vector.shape_cast %broadcast_in_dim3A_68 : vector<16x1xi32> to vector<16xi32>
      %gather3A_70 = tpu.dynamic_gather %get3A_60[%gather3A_69] in [0] : vector<16xf32>, vector<16xi32> -> vector<16xf32>
      %get3A_71 = arith.index_cast %multiple_of3A : i32 to index
      %get3A_72 = tpu.vector_load %arg10[%get3A_71] {strides = array<i32>} : memref<2048xf32, #tpu.memory_space<vmem>>, vector<16xf32>,
      %get3A_73 = vector.shape_cast %get3A_72 : vector<16xf32> to vector<16xf32>
      %lt3A_74 = arith.constant 0 : i32
      %lt3A_75 = vector.broadcast %lt3A_74 : i32 to vector<16xi32>
      %lt3A_76 = arith.cmpi slt, %broadcast_in_dim3A, %lt3A_75 : vector<16xi32>
      %add3A_77 = arith.constant 16 : i32
      %add3A_78 = vector.broadcast %add3A_77 : i32 to vector<16xi32>
      %add3A_79 = arith.addi %broadcast_in_dim3A, %add3A_78 : vector<16xi32>
      %select_n3A_80 = arith.select %lt3A_76, %add3A_79, %broadcast_in_dim3A : vector<16xi1>, vector<16xi32>
      %broadcast_in_dim3A_81 = vector.shape_cast %select_n3A_80 : vector<16xi32> to vector<16x1xi32>
      %gather3A_82 = vector.shape_cast %broadcast_in_dim3A_81 : vector<16x1xi32> to vector<16xi32>
      %gather3A_83 = tpu.dynamic_gather %get3A_73[%gather3A_82] in [0] : vector<16xf32>, vector<16xi32> -> vector<16xf32>
      %broadcast_in_dim3A_84 = arith.constant 1 : i32
      %broadcast_in_dim3A_85 = vector.broadcast %broadcast_in_dim3A_84 : i32 to vector<16xi32>
      %broadcast_in_dim3A_86 = arith.constant 0 : i32
      %broadcast_in_dim3A_87 = vector.broadcast %broadcast_in_dim3A_86 : i32 to vector<16xi32>
      %broadcast_in_dim3A_88 = arith.constant 0x7F800000 : f32
      %broadcast_in_dim3A_89 = vector.broadcast %broadcast_in_dim3A_88 : f32 to vector<16xf32>
      %swap3A = arith.constant 0 : index
      %swap3A_90 = tpu.vector_load %arg12[%swap3A] {strides = array<i32>} : memref<16xf32, #tpu.memory_space<vmem>>, vector<16xf32>,
      %swap3A_91 = vector.shape_cast %swap3A_90 : vector<16xf32> to vector<16xf32>
      %swap3A_92 = vector.shape_cast %broadcast_in_dim3A_89 : vector<16xf32> to vector<16xf32>
      tpu.vector_store %arg12[%swap3A], %swap3A_92 {strides = array<i32>} : memref<16xf32, #tpu.memory_space<vmem>>, vector<16xf32>,
      %broadcast_in_dim3A_93 = arith.constant 0 : i32
      %broadcast_in_dim3A_94 = vector.broadcast %broadcast_in_dim3A_93 : i32 to vector<16xi32>
      %swap3A_95 = arith.constant 0 : index
      %swap3A_96 = tpu.vector_load %arg13[%swap3A_95] {strides = array<i32>} : memref<16xi32, #tpu.memory_space<vmem>>, vector<16xi32>,
      %swap3A_97 = vector.shape_cast %swap3A_96 : vector<16xi32> to vector<16xi32>
      %swap3A_98 = vector.shape_cast %broadcast_in_dim3A_94 : vector<16xi32> to vector<16xi32>
      tpu.vector_store %arg13[%swap3A_95], %swap3A_98 {strides = array<i32>} : memref<16xi32, #tpu.memory_space<vmem>>, vector<16xi32>,
      %scan3A_99 = arith.constant 0 : i32
      %scan3A_100 = arith.constant 0 : i32
      %scan3A_101 = arith.constant 128 : i32
      %scan3A_102 = arith.addi %scan3A_100, %scan3A_101 : i32
      %scan3A_103 = arith.constant 1 : i32
      scf.for %scan3A_117 = %scan3A_100 to %scan3A_102 step %scan3A_103  : i32 {
        %mul3A_118 = arith.constant 16 : i32
        %mul3A_119 = arith.muli %scan3A_117, %mul3A_118 : i32
        %multiple_of3A_120 = tpu.assume_multiple %mul3A_119, 16 : i32
        %get3A_121 = arith.index_cast %multiple_of3A_120 : i32 to index
        %get3A_122 = tpu.vector_load %arg7[%get3A_121] {strides = array<i32>} : memref<2048xf32, #tpu.memory_space<vmem>>, vector<16xf32>,
        %get3A_123 = vector.shape_cast %get3A_122 : vector<16xf32> to vector<16xf32>
        %get3A_124 = arith.index_cast %multiple_of3A_120 : i32 to index
        %get3A_125 = tpu.vector_load %arg8[%get3A_124] {strides = array<i32>} : memref<2048xf32, #tpu.memory_space<vmem>>, vector<16xf32>,
        %get3A_126 = vector.shape_cast %get3A_125 : vector<16xf32> to vector<16xf32>
        %get3A_127 = arith.index_cast %multiple_of3A_120 : i32 to index
        %get3A_128 = tpu.vector_load %arg9[%get3A_127] {strides = array<i32>} : memref<2048xf32, #tpu.memory_space<vmem>>, vector<16xf32>,
        %get3A_129 = vector.shape_cast %get3A_128 : vector<16xf32> to vector<16xf32>
        %get3A_130 = arith.index_cast %multiple_of3A_120 : i32 to index
        %get3A_131 = tpu.vector_load %arg10[%get3A_130] {strides = array<i32>} : memref<2048xf32, #tpu.memory_space<vmem>>, vector<16xf32>,
        %get3A_132 = vector.shape_cast %get3A_131 : vector<16xf32> to vector<16xf32>
        %mul3A_133 = arith.mulf %gather3A_44, %get3A_123 : vector<16xf32>
        %mul3A_134 = arith.mulf %gather3A_57, %get3A_126 : vector<16xf32>
        %add3A_135 = arith.addf %mul3A_133, %mul3A_134 : vector<16xf32>
        %mul3A_136 = arith.mulf %gather3A_70, %get3A_129 : vector<16xf32>
        %add3A_137 = arith.addf %add3A_135, %mul3A_136 : vector<16xf32>
        %add3A_138 = arith.addf %gather3A_83, %get3A_132 : vector<16xf32>
        %mul3A_139 = arith.constant 2.000000e+00 : f32
        %mul3A_140 = vector.broadcast %mul3A_139 : f32 to vector<16xf32>
        %mul3A_141 = arith.mulf %mul3A_140, %add3A_137 : vector<16xf32>
        %sub3A_142 = arith.subf %add3A_138, %mul3A_141 : vector<16xf32>
        %xor3A = arith.constant 8 : i32
        %xor3A_143 = vector.broadcast %xor3A : i32 to vector<16xi32>
        %xor3A_144 = arith.xori %iota3A, %xor3A_143 : vector<16xi32>
        %lt3A_145 = arith.constant 0 : i32
        %lt3A_146 = vector.broadcast %lt3A_145 : i32 to vector<16xi32>
        %lt3A_147 = arith.cmpi slt, %xor3A_144, %lt3A_146 : vector<16xi32>
        %add3A_148 = arith.constant 16 : i32
        %add3A_149 = vector.broadcast %add3A_148 : i32 to vector<16xi32>
        %add3A_150 = arith.addi %xor3A_144, %add3A_149 : vector<16xi32>
        %select_n3A_151 = arith.select %lt3A_147, %add3A_150, %xor3A_144 : vector<16xi1>, vector<16xi32>
        %broadcast_in_dim3A_152 = vector.shape_cast %select_n3A_151 : vector<16xi32> to vector<16x1xi32>
        %gather3A_153 = vector.shape_cast %broadcast_in_dim3A_152 : vector<16x1xi32> to vector<16xi32>
        %gather3A_154 = tpu.dynamic_gather %sub3A_142[%gather3A_153] in [0] : vector<16xf32>, vector<16xi32> -> vector<16xf32>
        %min3A = arith.minimumf %sub3A_142, %gather3A_154 : vector<16xf32>
        %xor3A_155 = arith.constant 4 : i32
        %xor3A_156 = vector.broadcast %xor3A_155 : i32 to vector<16xi32>
        %xor3A_157 = arith.xori %iota3A, %xor3A_156 : vector<16xi32>
        %lt3A_158 = arith.constant 0 : i32
        %lt3A_159 = vector.broadcast %lt3A_158 : i32 to vector<16xi32>
        %lt3A_160 = arith.cmpi slt, %xor3A_157, %lt3A_159 : vector<16xi32>
        %add3A_161 = arith.constant 16 : i32
        %add3A_162 = vector.broadcast %add3A_161 : i32 to vector<16xi32>
        %add3A_163 = arith.addi %xor3A_157, %add3A_162 : vector<16xi32>
        %select_n3A_164 = arith.select %lt3A_160, %add3A_163, %xor3A_157 : vector<16xi1>, vector<16xi32>
        %broadcast_in_dim3A_165 = vector.shape_cast %select_n3A_164 : vector<16xi32> to vector<16x1xi32>
        %gather3A_166 = vector.shape_cast %broadcast_in_dim3A_165 : vector<16x1xi32> to vector<16xi32>
        %gather3A_167 = tpu.dynamic_gather %min3A[%gather3A_166] in [0] : vector<16xf32>, vector<16xi32> -> vector<16xf32>
        %min3A_168 = arith.minimumf %min3A, %gather3A_167 : vector<16xf32>
        %xor3A_169 = arith.constant 2 : i32
        %xor3A_170 = vector.broadcast %xor3A_169 : i32 to vector<16xi32>
        %xor3A_171 = arith.xori %iota3A, %xor3A_170 : vector<16xi32>
        %lt3A_172 = arith.constant 0 : i32
        %lt3A_173 = vector.broadcast %lt3A_172 : i32 to vector<16xi32>
        %lt3A_174 = arith.cmpi slt, %xor3A_171, %lt3A_173 : vector<16xi32>
        %add3A_175 = arith.constant 16 : i32
        %add3A_176 = vector.broadcast %add3A_175 : i32 to vector<16xi32>
        %add3A_177 = arith.addi %xor3A_171, %add3A_176 : vector<16xi32>
        %select_n3A_178 = arith.select %lt3A_174, %add3A_177, %xor3A_171 : vector<16xi1>, vector<16xi32>
        %broadcast_in_dim3A_179 = vector.shape_cast %select_n3A_178 : vector<16xi32> to vector<16x1xi32>
        %gather3A_180 = vector.shape_cast %broadcast_in_dim3A_179 : vector<16x1xi32> to vector<16xi32>
        %gather3A_181 = tpu.dynamic_gather %min3A_168[%gather3A_180] in [0] : vector<16xf32>, vector<16xi32> -> vector<16xf32>
        %min3A_182 = arith.minimumf %min3A_168, %gather3A_181 : vector<16xf32>
        %xor3A_183 = arith.constant 1 : i32
        %xor3A_184 = vector.broadcast %xor3A_183 : i32 to vector<16xi32>
        %xor3A_185 = arith.xori %iota3A, %xor3A_184 : vector<16xi32>
        %lt3A_186 = arith.constant 0 : i32
        %lt3A_187 = vector.broadcast %lt3A_186 : i32 to vector<16xi32>
        %lt3A_188 = arith.cmpi slt, %xor3A_185, %lt3A_187 : vector<16xi32>
        %add3A_189 = arith.constant 16 : i32
        %add3A_190 = vector.broadcast %add3A_189 : i32 to vector<16xi32>
        %add3A_191 = arith.addi %xor3A_185, %add3A_190 : vector<16xi32>
        %select_n3A_192 = arith.select %lt3A_188, %add3A_191, %xor3A_185 : vector<16xi1>, vector<16xi32>
        %broadcast_in_dim3A_193 = vector.shape_cast %select_n3A_192 : vector<16xi32> to vector<16x1xi32>
        %gather3A_194 = vector.shape_cast %broadcast_in_dim3A_193 : vector<16x1xi32> to vector<16xi32>
        %gather3A_195 = tpu.dynamic_gather %min3A_182[%gather3A_194] in [0] : vector<16xf32>, vector<16xi32> -> vector<16xf32>
        %min3A_196 = arith.minimumf %min3A_182, %gather3A_195 : vector<16xf32>
        %slice3A = vector.extract_strided_slice %min3A_196 {offsets = [0], sizes = [1], strides = [1]} : vector<16xf32> to vector<1xf32>
        %squeeze3A = vector.extract %slice3A[0] : f32 from vector<1xf32>
        %get3A_197 = arith.constant 0 : index
        %get3A_198 = tpu.vector_load %arg12[%get3A_197] {strides = array<i32>} : memref<16xf32, #tpu.memory_space<vmem>>, vector<16xf32>,
        %get3A_199 = vector.shape_cast %get3A_198 : vector<16xf32> to vector<16xf32>
        %slice3A_200 = vector.extract_strided_slice %get3A_199 {offsets = [15], sizes = [1], strides = [1]} : vector<16xf32> to vector<1xf32>
        %squeeze3A_201 = vector.extract %slice3A_200[0] : f32 from vector<1xf32>
        %lt3A_202 = arith.cmpf olt, %squeeze3A, %squeeze3A_201 : f32
        %convert_element_type3A = arith.extui %lt3A_202 : i1 to i32
        %cond3A = arith.constant 0 : i32
        %cond3A_203 = arith.cmpi ne, %convert_element_type3A, %cond3A : i32
        scf.if %cond3A_203 {
          %mul3A_204 = arith.constant 16 : i32
          %mul3A_205 = arith.muli %scan3A_117, %mul3A_204 : i32
          %add3A_206 = vector.broadcast %mul3A_205 : i32 to vector<16xi32>
          %add3A_207 = arith.addi %add3A_206, %iota3A : vector<16xi32>
          %xor3A_208 = arith.constant 1 : i32
          %xor3A_209 = vector.broadcast %xor3A_208 : i32 to vector<16xi32>
          %xor3A_210 = arith.xori %iota3A, %xor3A_209 : vector<16xi32>
          %lt3A_211 = arith.constant 0 : i32
          %lt3A_212 = vector.broadcast %lt3A_211 : i32 to vector<16xi32>
          %lt3A_213 = arith.cmpi slt, %xor3A_210, %lt3A_212 : vector<16xi32>
          %add3A_214 = arith.constant 16 : i32
          %add3A_215 = vector.broadcast %add3A_214 : i32 to vector<16xi32>
          %add3A_216 = arith.addi %xor3A_210, %add3A_215 : vector<16xi32>
          %select_n3A_217 = arith.select %lt3A_213, %add3A_216, %xor3A_210 : vector<16xi1>, vector<16xi32>
          %broadcast_in_dim3A_218 = vector.shape_cast %select_n3A_217 : vector<16xi32> to vector<16x1xi32>
          %gather3A_219 = vector.shape_cast %broadcast_in_dim3A_218 : vector<16x1xi32> to vector<16xi32>
          %gather3A_220 = tpu.dynamic_gather %sub3A_142[%gather3A_219] in [0] : vector<16xf32>, vector<16xi32> -> vector<16xf32>
          %lt3A_221 = arith.constant 0 : i32
          %lt3A_222 = vector.broadcast %lt3A_221 : i32 to vector<16xi32>
          %lt3A_223 = arith.cmpi slt, %xor3A_210, %lt3A_222 : vector<16xi32>
          %add3A_224 = arith.constant 16 : i32
          %add3A_225 = vector.broadcast %add3A_224 : i32 to vector<16xi32>
          %add3A_226 = arith.addi %xor3A_210, %add3A_225 : vector<16xi32>
          %select_n3A_227 = arith.select %lt3A_223, %add3A_226, %xor3A_210 : vector<16xi1>, vector<16xi32>
          %broadcast_in_dim3A_228 = vector.shape_cast %select_n3A_227 : vector<16xi32> to vector<16x1xi32>
          %gather3A_229 = vector.shape_cast %broadcast_in_dim3A_228 : vector<16x1xi32> to vector<16xi32>
          %gather3A_230 = tpu.dynamic_gather %add3A_207[%gather3A_229] in [0] : vector<16xi32>, vector<16xi32> -> vector<16xi32>
          %lt3A_231 = arith.cmpf olt, %sub3A_142, %gather3A_220 : vector<16xf32>
          %select_n3A_232 = arith.select %lt3A_231, %broadcast_in_dim3A_85, %broadcast_in_dim3A_87 : vector<16xi1>, vector<16xi32>
          %eq3A = arith.cmpf oeq, %sub3A_142, %gather3A_220 : vector<16xf32>
          %select_n3A_233 = arith.select %eq3A, %broadcast_in_dim3A_85, %broadcast_in_dim3A_87 : vector<16xi1>, vector<16xi32>
          %lt3A_234 = arith.cmpi slt, %add3A_207, %gather3A_230 : vector<16xi32>
          %select_n3A_235 = arith.select %lt3A_234, %broadcast_in_dim3A_85, %broadcast_in_dim3A_87 : vector<16xi1>, vector<16xi32>
          %and3A_236 = arith.andi %select_n3A_233, %select_n3A_235 : vector<16xi32>
          %or3A = arith.ori %select_n3A_232, %and3A_236 : vector<16xi32>
          %and3A_237 = arith.constant 1 : i32
          %and3A_238 = vector.broadcast %and3A_237 : i32 to vector<16xi32>
          %and3A_239 = arith.andi %iota3A, %and3A_238 : vector<16xi32>
          %eq3A_240 = arith.constant 0 : i32
          %eq3A_241 = vector.broadcast %eq3A_240 : i32 to vector<16xi32>
          %eq3A_242 = arith.cmpi eq, %and3A_239, %eq3A_241 : vector<16xi32>
          %select_n3A_243 = arith.select %eq3A_242, %broadcast_in_dim3A_85, %broadcast_in_dim3A_87 : vector<16xi1>, vector<16xi32>
          %xor3A_244 = arith.xori %broadcast_in_dim3A_85, %select_n3A_243 : vector<16xi32>
          %and3A_245 = arith.constant 2 : i32
          %and3A_246 = vector.broadcast %and3A_245 : i32 to vector<16xi32>
          %and3A_247 = arith.andi %iota3A, %and3A_246 : vector<16xi32>
          %eq3A_248 = arith.constant 0 : i32
          %eq3A_249 = vector.broadcast %eq3A_248 : i32 to vector<16xi32>
          %eq3A_250 = arith.cmpi eq, %and3A_247, %eq3A_249 : vector<16xi32>
          %select_n3A_251 = arith.select %eq3A_250, %broadcast_in_dim3A_85, %broadcast_in_dim3A_87 : vector<16xi1>, vector<16xi32>
          %xor3A_252 = arith.xori %xor3A_244, %select_n3A_251 : vector<16xi32>
          %xor3A_253 = arith.xori %xor3A_252, %or3A : vector<16xi32>
          %eq3A_254 = arith.constant 0 : i32
          %eq3A_255 = vector.broadcast %eq3A_254 : i32 to vector<16xi32>
          %eq3A_256 = arith.cmpi eq, %xor3A_253, %eq3A_255 : vector<16xi32>
          %select_n3A_257 = arith.select %eq3A_256, %sub3A_142, %gather3A_220 : vector<16xi1>, vector<16xf32>
          %select_n3A_258 = arith.select %eq3A_256, %add3A_207, %gather3A_230 : vector<16xi1>, vector<16xi32>
          %xor3A_259 = arith.constant 2 : i32
          %xor3A_260 = vector.broadcast %xor3A_259 : i32 to vector<16xi32>
          %xor3A_261 = arith.xori %iota3A, %xor3A_260 : vector<16xi32>
          %lt3A_262 = arith.constant 0 : i32
          %lt3A_263 = vector.broadcast %lt3A_262 : i32 to vector<16xi32>
          %lt3A_264 = arith.cmpi slt, %xor3A_261, %lt3A_263 : vector<16xi32>
          %add3A_265 = arith.constant 16 : i32
          %add3A_266 = vector.broadcast %add3A_265 : i32 to vector<16xi32>
          %add3A_267 = arith.addi %xor3A_261, %add3A_266 : vector<16xi32>
          %select_n3A_268 = arith.select %lt3A_264, %add3A_267, %xor3A_261 : vector<16xi1>, vector<16xi32>
          %broadcast_in_dim3A_269 = vector.shape_cast %select_n3A_268 : vector<16xi32> to vector<16x1xi32>
          %gather3A_270 = vector.shape_cast %broadcast_in_dim3A_269 : vector<16x1xi32> to vector<16xi32>
          %gather3A_271 = tpu.dynamic_gather %select_n3A_257[%gather3A_270] in [0] : vector<16xf32>, vector<16xi32> -> vector<16xf32>
          %lt3A_272 = arith.constant 0 : i32
          %lt3A_273 = vector.broadcast %lt3A_272 : i32 to vector<16xi32>
          %lt3A_274 = arith.cmpi slt, %xor3A_261, %lt3A_273 : vector<16xi32>
          %add3A_275 = arith.constant 16 : i32
          %add3A_276 = vector.broadcast %add3A_275 : i32 to vector<16xi32>
          %add3A_277 = arith.addi %xor3A_261, %add3A_276 : vector<16xi32>
          %select_n3A_278 = arith.select %lt3A_274, %add3A_277, %xor3A_261 : vector<16xi1>, vector<16xi32>
          %broadcast_in_dim3A_279 = vector.shape_cast %select_n3A_278 : vector<16xi32> to vector<16x1xi32>
          %gather3A_280 = vector.shape_cast %broadcast_in_dim3A_279 : vector<16x1xi32> to vector<16xi32>
          %gather3A_281 = tpu.dynamic_gather %select_n3A_258[%gather3A_280] in [0] : vector<16xi32>, vector<16xi32> -> vector<16xi32>
          %lt3A_282 = arith.cmpf olt, %select_n3A_257, %gather3A_271 : vector<16xf32>
          %select_n3A_283 = arith.select %lt3A_282, %broadcast_in_dim3A_85, %broadcast_in_dim3A_87 : vector<16xi1>, vector<16xi32>
          %eq3A_284 = arith.cmpf oeq, %select_n3A_257, %gather3A_271 : vector<16xf32>
          %select_n3A_285 = arith.select %eq3A_284, %broadcast_in_dim3A_85, %broadcast_in_dim3A_87 : vector<16xi1>, vector<16xi32>
          %lt3A_286 = arith.cmpi slt, %select_n3A_258, %gather3A_281 : vector<16xi32>
          %select_n3A_287 = arith.select %lt3A_286, %broadcast_in_dim3A_85, %broadcast_in_dim3A_87 : vector<16xi1>, vector<16xi32>
          %and3A_288 = arith.andi %select_n3A_285, %select_n3A_287 : vector<16xi32>
          %or3A_289 = arith.ori %select_n3A_283, %and3A_288 : vector<16xi32>
          %and3A_290 = arith.constant 2 : i32
          %and3A_291 = vector.broadcast %and3A_290 : i32 to vector<16xi32>
          %and3A_292 = arith.andi %iota3A, %and3A_291 : vector<16xi32>
          %eq3A_293 = arith.constant 0 : i32
          %eq3A_294 = vector.broadcast %eq3A_293 : i32 to vector<16xi32>
          %eq3A_295 = arith.cmpi eq, %and3A_292, %eq3A_294 : vector<16xi32>
          %select_n3A_296 = arith.select %eq3A_295, %broadcast_in_dim3A_85, %broadcast_in_dim3A_87 : vector<16xi1>, vector<16xi32>
          %xor3A_297 = arith.xori %broadcast_in_dim3A_85, %select_n3A_296 : vector<16xi32>
          %and3A_298 = arith.constant 4 : i32
          %and3A_299 = vector.broadcast %and3A_298 : i32 to vector<16xi32>
          %and3A_300 = arith.andi %iota3A, %and3A_299 : vector<16xi32>
          %eq3A_301 = arith.constant 0 : i32
          %eq3A_302 = vector.broadcast %eq3A_301 : i32 to vector<16xi32>
          %eq3A_303 = arith.cmpi eq, %and3A_300, %eq3A_302 : vector<16xi32>
          %select_n3A_304 = arith.select %eq3A_303, %broadcast_in_dim3A_85, %broadcast_in_dim3A_87 : vector<16xi1>, vector<16xi32>
          %xor3A_305 = arith.xori %xor3A_297, %select_n3A_304 : vector<16xi32>
          %xor3A_306 = arith.xori %xor3A_305, %or3A_289 : vector<16xi32>
          %eq3A_307 = arith.constant 0 : i32
          %eq3A_308 = vector.broadcast %eq3A_307 : i32 to vector<16xi32>
          %eq3A_309 = arith.cmpi eq, %xor3A_306, %eq3A_308 : vector<16xi32>
          %select_n3A_310 = arith.select %eq3A_309, %select_n3A_257, %gather3A_271 : vector<16xi1>, vector<16xf32>
          %select_n3A_311 = arith.select %eq3A_309, %select_n3A_258, %gather3A_281 : vector<16xi1>, vector<16xi32>
          %xor3A_312 = arith.constant 1 : i32
          %xor3A_313 = vector.broadcast %xor3A_312 : i32 to vector<16xi32>
          %xor3A_314 = arith.xori %iota3A, %xor3A_313 : vector<16xi32>
          %lt3A_315 = arith.constant 0 : i32
          %lt3A_316 = vector.broadcast %lt3A_315 : i32 to vector<16xi32>
          %lt3A_317 = arith.cmpi slt, %xor3A_314, %lt3A_316 : vector<16xi32>
          %add3A_318 = arith.constant 16 : i32
          %add3A_319 = vector.broadcast %add3A_318 : i32 to vector<16xi32>
          %add3A_320 = arith.addi %xor3A_314, %add3A_319 : vector<16xi32>
          %select_n3A_321 = arith.select %lt3A_317, %add3A_320, %xor3A_314 : vector<16xi1>, vector<16xi32>
          %broadcast_in_dim3A_322 = vector.shape_cast %select_n3A_321 : vector<16xi32> to vector<16x1xi32>
          %gather3A_323 = vector.shape_cast %broadcast_in_dim3A_322 : vector<16x1xi32> to vector<16xi32>
          %gather3A_324 = tpu.dynamic_gather %select_n3A_310[%gather3A_323] in [0] : vector<16xf32>, vector<16xi32> -> vector<16xf32>
          %lt3A_325 = arith.constant 0 : i32
          %lt3A_326 = vector.broadcast %lt3A_325 : i32 to vector<16xi32>
          %lt3A_327 = arith.cmpi slt, %xor3A_314, %lt3A_326 : vector<16xi32>
          %add3A_328 = arith.constant 16 : i32
          %add3A_329 = vector.broadcast %add3A_328 : i32 to vector<16xi32>
          %add3A_330 = arith.addi %xor3A_314, %add3A_329 : vector<16xi32>
          %select_n3A_331 = arith.select %lt3A_327, %add3A_330, %xor3A_314 : vector<16xi1>, vector<16xi32>
          %broadcast_in_dim3A_332 = vector.shape_cast %select_n3A_331 : vector<16xi32> to vector<16x1xi32>
          %gather3A_333 = vector.shape_cast %broadcast_in_dim3A_332 : vector<16x1xi32> to vector<16xi32>
          %gather3A_334 = tpu.dynamic_gather %select_n3A_311[%gather3A_333] in [0] : vector<16xi32>, vector<16xi32> -> vector<16xi32>
          %lt3A_335 = arith.cmpf olt, %select_n3A_310, %gather3A_324 : vector<16xf32>
          %select_n3A_336 = arith.select %lt3A_335, %broadcast_in_dim3A_85, %broadcast_in_dim3A_87 : vector<16xi1>, vector<16xi32>
          %eq3A_337 = arith.cmpf oeq, %select_n3A_310, %gather3A_324 : vector<16xf32>
          %select_n3A_338 = arith.select %eq3A_337, %broadcast_in_dim3A_85, %broadcast_in_dim3A_87 : vector<16xi1>, vector<16xi32>
          %lt3A_339 = arith.cmpi slt, %select_n3A_311, %gather3A_334 : vector<16xi32>
          %select_n3A_340 = arith.select %lt3A_339, %broadcast_in_dim3A_85, %broadcast_in_dim3A_87 : vector<16xi1>, vector<16xi32>
          %and3A_341 = arith.andi %select_n3A_338, %select_n3A_340 : vector<16xi32>
          %or3A_342 = arith.ori %select_n3A_336, %and3A_341 : vector<16xi32>
          %and3A_343 = arith.constant 1 : i32
          %and3A_344 = vector.broadcast %and3A_343 : i32 to vector<16xi32>
          %and3A_345 = arith.andi %iota3A, %and3A_344 : vector<16xi32>
          %eq3A_346 = arith.constant 0 : i32
          %eq3A_347 = vector.broadcast %eq3A_346 : i32 to vector<16xi32>
          %eq3A_348 = arith.cmpi eq, %and3A_345, %eq3A_347 : vector<16xi32>
          %select_n3A_349 = arith.select %eq3A_348, %broadcast_in_dim3A_85, %broadcast_in_dim3A_87 : vector<16xi1>, vector<16xi32>
          %xor3A_350 = arith.xori %broadcast_in_dim3A_85, %select_n3A_349 : vector<16xi32>
          %and3A_351 = arith.constant 4 : i32
          %and3A_352 = vector.broadcast %and3A_351 : i32 to vector<16xi32>
          %and3A_353 = arith.andi %iota3A, %and3A_352 : vector<16xi32>
          %eq3A_354 = arith.constant 0 : i32
          %eq3A_355 = vector.broadcast %eq3A_354 : i32 to vector<16xi32>
          %eq3A_356 = arith.cmpi eq, %and3A_353, %eq3A_355 : vector<16xi32>
          %select_n3A_357 = arith.select %eq3A_356, %broadcast_in_dim3A_85, %broadcast_in_dim3A_87 : vector<16xi1>, vector<16xi32>
          %xor3A_358 = arith.xori %xor3A_350, %select_n3A_357 : vector<16xi32>
          %xor3A_359 = arith.xori %xor3A_358, %or3A_342 : vector<16xi32>
          %eq3A_360 = arith.constant 0 : i32
          %eq3A_361 = vector.broadcast %eq3A_360 : i32 to vector<16xi32>
          %eq3A_362 = arith.cmpi eq, %xor3A_359, %eq3A_361 : vector<16xi32>
          %select_n3A_363 = arith.select %eq3A_362, %select_n3A_310, %gather3A_324 : vector<16xi1>, vector<16xf32>
          %select_n3A_364 = arith.select %eq3A_362, %select_n3A_311, %gather3A_334 : vector<16xi1>, vector<16xi32>
          %xor3A_365 = arith.constant 4 : i32
          %xor3A_366 = vector.broadcast %xor3A_365 : i32 to vector<16xi32>
          %xor3A_367 = arith.xori %iota3A, %xor3A_366 : vector<16xi32>
          %lt3A_368 = arith.constant 0 : i32
          %lt3A_369 = vector.broadcast %lt3A_368 : i32 to vector<16xi32>
          %lt3A_370 = arith.cmpi slt, %xor3A_367, %lt3A_369 : vector<16xi32>
          %add3A_371 = arith.constant 16 : i32
          %add3A_372 = vector.broadcast %add3A_371 : i32 to vector<16xi32>
          %add3A_373 = arith.addi %xor3A_367, %add3A_372 : vector<16xi32>
          %select_n3A_374 = arith.select %lt3A_370, %add3A_373, %xor3A_367 : vector<16xi1>, vector<16xi32>
          %broadcast_in_dim3A_375 = vector.shape_cast %select_n3A_374 : vector<16xi32> to vector<16x1xi32>
          %gather3A_376 = vector.shape_cast %broadcast_in_dim3A_375 : vector<16x1xi32> to vector<16xi32>
          %gather3A_377 = tpu.dynamic_gather %select_n3A_363[%gather3A_376] in [0] : vector<16xf32>, vector<16xi32> -> vector<16xf32>
          %lt3A_378 = arith.constant 0 : i32
          %lt3A_379 = vector.broadcast %lt3A_378 : i32 to vector<16xi32>
          %lt3A_380 = arith.cmpi slt, %xor3A_367, %lt3A_379 : vector<16xi32>
          %add3A_381 = arith.constant 16 : i32
          %add3A_382 = vector.broadcast %add3A_381 : i32 to vector<16xi32>
          %add3A_383 = arith.addi %xor3A_367, %add3A_382 : vector<16xi32>
          %select_n3A_384 = arith.select %lt3A_380, %add3A_383, %xor3A_367 : vector<16xi1>, vector<16xi32>
          %broadcast_in_dim3A_385 = vector.shape_cast %select_n3A_384 : vector<16xi32> to vector<16x1xi32>
          %gather3A_386 = vector.shape_cast %broadcast_in_dim3A_385 : vector<16x1xi32> to vector<16xi32>
          %gather3A_387 = tpu.dynamic_gather %select_n3A_364[%gather3A_386] in [0] : vector<16xi32>, vector<16xi32> -> vector<16xi32>
          %lt3A_388 = arith.cmpf olt, %select_n3A_363, %gather3A_377 : vector<16xf32>
          %select_n3A_389 = arith.select %lt3A_388, %broadcast_in_dim3A_85, %broadcast_in_dim3A_87 : vector<16xi1>, vector<16xi32>
          %eq3A_390 = arith.cmpf oeq, %select_n3A_363, %gather3A_377 : vector<16xf32>
          %select_n3A_391 = arith.select %eq3A_390, %broadcast_in_dim3A_85, %broadcast_in_dim3A_87 : vector<16xi1>, vector<16xi32>
          %lt3A_392 = arith.cmpi slt, %select_n3A_364, %gather3A_387 : vector<16xi32>
          %select_n3A_393 = arith.select %lt3A_392, %broadcast_in_dim3A_85, %broadcast_in_dim3A_87 : vector<16xi1>, vector<16xi32>
          %and3A_394 = arith.andi %select_n3A_391, %select_n3A_393 : vector<16xi32>
          %or3A_395 = arith.ori %select_n3A_389, %and3A_394 : vector<16xi32>
          %and3A_396 = arith.constant 4 : i32
          %and3A_397 = vector.broadcast %and3A_396 : i32 to vector<16xi32>
          %and3A_398 = arith.andi %iota3A, %and3A_397 : vector<16xi32>
          %eq3A_399 = arith.constant 0 : i32
          %eq3A_400 = vector.broadcast %eq3A_399 : i32 to vector<16xi32>
          %eq3A_401 = arith.cmpi eq, %and3A_398, %eq3A_400 : vector<16xi32>
          %select_n3A_402 = arith.select %eq3A_401, %broadcast_in_dim3A_85, %broadcast_in_dim3A_87 : vector<16xi1>, vector<16xi32>
          %xor3A_403 = arith.xori %broadcast_in_dim3A_85, %select_n3A_402 : vector<16xi32>
          %and3A_404 = arith.constant 8 : i32
          %and3A_405 = vector.broadcast %and3A_404 : i32 to vector<16xi32>
          %and3A_406 = arith.andi %iota3A, %and3A_405 : vector<16xi32>
          %eq3A_407 = arith.constant 0 : i32
          %eq3A_408 = vector.broadcast %eq3A_407 : i32 to vector<16xi32>
          %eq3A_409 = arith.cmpi eq, %and3A_406, %eq3A_408 : vector<16xi32>
          %select_n3A_410 = arith.select %eq3A_409, %broadcast_in_dim3A_85, %broadcast_in_dim3A_87 : vector<16xi1>, vector<16xi32>
          %xor3A_411 = arith.xori %xor3A_403, %select_n3A_410 : vector<16xi32>
          %xor3A_412 = arith.xori %xor3A_411, %or3A_395 : vector<16xi32>
          %eq3A_413 = arith.constant 0 : i32
          %eq3A_414 = vector.broadcast %eq3A_413 : i32 to vector<16xi32>
          %eq3A_415 = arith.cmpi eq, %xor3A_412, %eq3A_414 : vector<16xi32>
          %select_n3A_416 = arith.select %eq3A_415, %select_n3A_363, %gather3A_377 : vector<16xi1>, vector<16xf32>
          %select_n3A_417 = arith.select %eq3A_415, %select_n3A_364, %gather3A_387 : vector<16xi1>, vector<16xi32>
          %xor3A_418 = arith.constant 2 : i32
          %xor3A_419 = vector.broadcast %xor3A_418 : i32 to vector<16xi32>
          %xor3A_420 = arith.xori %iota3A, %xor3A_419 : vector<16xi32>
          %lt3A_421 = arith.constant 0 : i32
          %lt3A_422 = vector.broadcast %lt3A_421 : i32 to vector<16xi32>
          %lt3A_423 = arith.cmpi slt, %xor3A_420, %lt3A_422 : vector<16xi32>
          %add3A_424 = arith.constant 16 : i32
          %add3A_425 = vector.broadcast %add3A_424 : i32 to vector<16xi32>
          %add3A_426 = arith.addi %xor3A_420, %add3A_425 : vector<16xi32>
          %select_n3A_427 = arith.select %lt3A_423, %add3A_426, %xor3A_420 : vector<16xi1>, vector<16xi32>
          %broadcast_in_dim3A_428 = vector.shape_cast %select_n3A_427 : vector<16xi32> to vector<16x1xi32>
          %gather3A_429 = vector.shape_cast %broadcast_in_dim3A_428 : vector<16x1xi32> to vector<16xi32>
          %gather3A_430 = tpu.dynamic_gather %select_n3A_416[%gather3A_429] in [0] : vector<16xf32>, vector<16xi32> -> vector<16xf32>
          %lt3A_431 = arith.constant 0 : i32
          %lt3A_432 = vector.broadcast %lt3A_431 : i32 to vector<16xi32>
          %lt3A_433 = arith.cmpi slt, %xor3A_420, %lt3A_432 : vector<16xi32>
          %add3A_434 = arith.constant 16 : i32
          %add3A_435 = vector.broadcast %add3A_434 : i32 to vector<16xi32>
          %add3A_436 = arith.addi %xor3A_420, %add3A_435 : vector<16xi32>
          %select_n3A_437 = arith.select %lt3A_433, %add3A_436, %xor3A_420 : vector<16xi1>, vector<16xi32>
          %broadcast_in_dim3A_438 = vector.shape_cast %select_n3A_437 : vector<16xi32> to vector<16x1xi32>
          %gather3A_439 = vector.shape_cast %broadcast_in_dim3A_438 : vector<16x1xi32> to vector<16xi32>
          %gather3A_440 = tpu.dynamic_gather %select_n3A_417[%gather3A_439] in [0] : vector<16xi32>, vector<16xi32> -> vector<16xi32>
          %lt3A_441 = arith.cmpf olt, %select_n3A_416, %gather3A_430 : vector<16xf32>
          %select_n3A_442 = arith.select %lt3A_441, %broadcast_in_dim3A_85, %broadcast_in_dim3A_87 : vector<16xi1>, vector<16xi32>
          %eq3A_443 = arith.cmpf oeq, %select_n3A_416, %gather3A_430 : vector<16xf32>
          %select_n3A_444 = arith.select %eq3A_443, %broadcast_in_dim3A_85, %broadcast_in_dim3A_87 : vector<16xi1>, vector<16xi32>
          %lt3A_445 = arith.cmpi slt, %select_n3A_417, %gather3A_440 : vector<16xi32>
          %select_n3A_446 = arith.select %lt3A_445, %broadcast_in_dim3A_85, %broadcast_in_dim3A_87 : vector<16xi1>, vector<16xi32>
          %and3A_447 = arith.andi %select_n3A_444, %select_n3A_446 : vector<16xi32>
          %or3A_448 = arith.ori %select_n3A_442, %and3A_447 : vector<16xi32>
          %and3A_449 = arith.constant 2 : i32
          %and3A_450 = vector.broadcast %and3A_449 : i32 to vector<16xi32>
          %and3A_451 = arith.andi %iota3A, %and3A_450 : vector<16xi32>
          %eq3A_452 = arith.constant 0 : i32
          %eq3A_453 = vector.broadcast %eq3A_452 : i32 to vector<16xi32>
          %eq3A_454 = arith.cmpi eq, %and3A_451, %eq3A_453 : vector<16xi32>
          %select_n3A_455 = arith.select %eq3A_454, %broadcast_in_dim3A_85, %broadcast_in_dim3A_87 : vector<16xi1>, vector<16xi32>
          %xor3A_456 = arith.xori %broadcast_in_dim3A_85, %select_n3A_455 : vector<16xi32>
          %and3A_457 = arith.constant 8 : i32
          %and3A_458 = vector.broadcast %and3A_457 : i32 to vector<16xi32>
          %and3A_459 = arith.andi %iota3A, %and3A_458 : vector<16xi32>
          %eq3A_460 = arith.constant 0 : i32
          %eq3A_461 = vector.broadcast %eq3A_460 : i32 to vector<16xi32>
          %eq3A_462 = arith.cmpi eq, %and3A_459, %eq3A_461 : vector<16xi32>
          %select_n3A_463 = arith.select %eq3A_462, %broadcast_in_dim3A_85, %broadcast_in_dim3A_87 : vector<16xi1>, vector<16xi32>
          %xor3A_464 = arith.xori %xor3A_456, %select_n3A_463 : vector<16xi32>
          %xor3A_465 = arith.xori %xor3A_464, %or3A_448 : vector<16xi32>
          %eq3A_466 = arith.constant 0 : i32
          %eq3A_467 = vector.broadcast %eq3A_466 : i32 to vector<16xi32>
          %eq3A_468 = arith.cmpi eq, %xor3A_465, %eq3A_467 : vector<16xi32>
          %select_n3A_469 = arith.select %eq3A_468, %select_n3A_416, %gather3A_430 : vector<16xi1>, vector<16xf32>
          %select_n3A_470 = arith.select %eq3A_468, %select_n3A_417, %gather3A_440 : vector<16xi1>, vector<16xi32>
          %xor3A_471 = arith.constant 1 : i32
          %xor3A_472 = vector.broadcast %xor3A_471 : i32 to vector<16xi32>
          %xor3A_473 = arith.xori %iota3A, %xor3A_472 : vector<16xi32>
          %lt3A_474 = arith.constant 0 : i32
          %lt3A_475 = vector.broadcast %lt3A_474 : i32 to vector<16xi32>
          %lt3A_476 = arith.cmpi slt, %xor3A_473, %lt3A_475 : vector<16xi32>
          %add3A_477 = arith.constant 16 : i32
          %add3A_478 = vector.broadcast %add3A_477 : i32 to vector<16xi32>
          %add3A_479 = arith.addi %xor3A_473, %add3A_478 : vector<16xi32>
          %select_n3A_480 = arith.select %lt3A_476, %add3A_479, %xor3A_473 : vector<16xi1>, vector<16xi32>
          %broadcast_in_dim3A_481 = vector.shape_cast %select_n3A_480 : vector<16xi32> to vector<16x1xi32>
          %gather3A_482 = vector.shape_cast %broadcast_in_dim3A_481 : vector<16x1xi32> to vector<16xi32>
          %gather3A_483 = tpu.dynamic_gather %select_n3A_469[%gather3A_482] in [0] : vector<16xf32>, vector<16xi32> -> vector<16xf32>
          %lt3A_484 = arith.constant 0 : i32
          %lt3A_485 = vector.broadcast %lt3A_484 : i32 to vector<16xi32>
          %lt3A_486 = arith.cmpi slt, %xor3A_473, %lt3A_485 : vector<16xi32>
          %add3A_487 = arith.constant 16 : i32
          %add3A_488 = vector.broadcast %add3A_487 : i32 to vector<16xi32>
          %add3A_489 = arith.addi %xor3A_473, %add3A_488 : vector<16xi32>
          %select_n3A_490 = arith.select %lt3A_486, %add3A_489, %xor3A_473 : vector<16xi1>, vector<16xi32>
          %broadcast_in_dim3A_491 = vector.shape_cast %select_n3A_490 : vector<16xi32> to vector<16x1xi32>
          %gather3A_492 = vector.shape_cast %broadcast_in_dim3A_491 : vector<16x1xi32> to vector<16xi32>
          %gather3A_493 = tpu.dynamic_gather %select_n3A_470[%gather3A_492] in [0] : vector<16xi32>, vector<16xi32> -> vector<16xi32>
          %lt3A_494 = arith.cmpf olt, %select_n3A_469, %gather3A_483 : vector<16xf32>
          %select_n3A_495 = arith.select %lt3A_494, %broadcast_in_dim3A_85, %broadcast_in_dim3A_87 : vector<16xi1>, vector<16xi32>
          %eq3A_496 = arith.cmpf oeq, %select_n3A_469, %gather3A_483 : vector<16xf32>
          %select_n3A_497 = arith.select %eq3A_496, %broadcast_in_dim3A_85, %broadcast_in_dim3A_87 : vector<16xi1>, vector<16xi32>
          %lt3A_498 = arith.cmpi slt, %select_n3A_470, %gather3A_493 : vector<16xi32>
          %select_n3A_499 = arith.select %lt3A_498, %broadcast_in_dim3A_85, %broadcast_in_dim3A_87 : vector<16xi1>, vector<16xi32>
          %and3A_500 = arith.andi %select_n3A_497, %select_n3A_499 : vector<16xi32>
          %or3A_501 = arith.ori %select_n3A_495, %and3A_500 : vector<16xi32>
          %and3A_502 = arith.constant 1 : i32
          %and3A_503 = vector.broadcast %and3A_502 : i32 to vector<16xi32>
          %and3A_504 = arith.andi %iota3A, %and3A_503 : vector<16xi32>
          %eq3A_505 = arith.constant 0 : i32
          %eq3A_506 = vector.broadcast %eq3A_505 : i32 to vector<16xi32>
          %eq3A_507 = arith.cmpi eq, %and3A_504, %eq3A_506 : vector<16xi32>
          %select_n3A_508 = arith.select %eq3A_507, %broadcast_in_dim3A_85, %broadcast_in_dim3A_87 : vector<16xi1>, vector<16xi32>
          %xor3A_509 = arith.xori %broadcast_in_dim3A_85, %select_n3A_508 : vector<16xi32>
          %and3A_510 = arith.constant 8 : i32
          %and3A_511 = vector.broadcast %and3A_510 : i32 to vector<16xi32>
          %and3A_512 = arith.andi %iota3A, %and3A_511 : vector<16xi32>
          %eq3A_513 = arith.constant 0 : i32
          %eq3A_514 = vector.broadcast %eq3A_513 : i32 to vector<16xi32>
          %eq3A_515 = arith.cmpi eq, %and3A_512, %eq3A_514 : vector<16xi32>
          %select_n3A_516 = arith.select %eq3A_515, %broadcast_in_dim3A_85, %broadcast_in_dim3A_87 : vector<16xi1>, vector<16xi32>
          %xor3A_517 = arith.xori %xor3A_509, %select_n3A_516 : vector<16xi32>
          %xor3A_518 = arith.xori %xor3A_517, %or3A_501 : vector<16xi32>
          %eq3A_519 = arith.constant 0 : i32
          %eq3A_520 = vector.broadcast %eq3A_519 : i32 to vector<16xi32>
          %eq3A_521 = arith.cmpi eq, %xor3A_518, %eq3A_520 : vector<16xi32>
          %select_n3A_522 = arith.select %eq3A_521, %select_n3A_469, %gather3A_483 : vector<16xi1>, vector<16xf32>
          %select_n3A_523 = arith.select %eq3A_521, %select_n3A_470, %gather3A_493 : vector<16xi1>, vector<16xi32>
          %xor3A_524 = arith.constant 8 : i32
          %xor3A_525 = vector.broadcast %xor3A_524 : i32 to vector<16xi32>
          %xor3A_526 = arith.xori %iota3A, %xor3A_525 : vector<16xi32>
          %lt3A_527 = arith.constant 0 : i32
          %lt3A_528 = vector.broadcast %lt3A_527 : i32 to vector<16xi32>
          %lt3A_529 = arith.cmpi slt, %xor3A_526, %lt3A_528 : vector<16xi32>
          %add3A_530 = arith.constant 16 : i32
          %add3A_531 = vector.broadcast %add3A_530 : i32 to vector<16xi32>
          %add3A_532 = arith.addi %xor3A_526, %add3A_531 : vector<16xi32>
          %select_n3A_533 = arith.select %lt3A_529, %add3A_532, %xor3A_526 : vector<16xi1>, vector<16xi32>
          %broadcast_in_dim3A_534 = vector.shape_cast %select_n3A_533 : vector<16xi32> to vector<16x1xi32>
          %gather3A_535 = vector.shape_cast %broadcast_in_dim3A_534 : vector<16x1xi32> to vector<16xi32>
          %gather3A_536 = tpu.dynamic_gather %select_n3A_522[%gather3A_535] in [0] : vector<16xf32>, vector<16xi32> -> vector<16xf32>
          %lt3A_537 = arith.constant 0 : i32
          %lt3A_538 = vector.broadcast %lt3A_537 : i32 to vector<16xi32>
          %lt3A_539 = arith.cmpi slt, %xor3A_526, %lt3A_538 : vector<16xi32>
          %add3A_540 = arith.constant 16 : i32
          %add3A_541 = vector.broadcast %add3A_540 : i32 to vector<16xi32>
          %add3A_542 = arith.addi %xor3A_526, %add3A_541 : vector<16xi32>
          %select_n3A_543 = arith.select %lt3A_539, %add3A_542, %xor3A_526 : vector<16xi1>, vector<16xi32>
          %broadcast_in_dim3A_544 = vector.shape_cast %select_n3A_543 : vector<16xi32> to vector<16x1xi32>
          %gather3A_545 = vector.shape_cast %broadcast_in_dim3A_544 : vector<16x1xi32> to vector<16xi32>
          %gather3A_546 = tpu.dynamic_gather %select_n3A_523[%gather3A_545] in [0] : vector<16xi32>, vector<16xi32> -> vector<16xi32>
          %lt3A_547 = arith.cmpf olt, %select_n3A_522, %gather3A_536 : vector<16xf32>
          %select_n3A_548 = arith.select %lt3A_547, %broadcast_in_dim3A_85, %broadcast_in_dim3A_87 : vector<16xi1>, vector<16xi32>
          %eq3A_549 = arith.cmpf oeq, %select_n3A_522, %gather3A_536 : vector<16xf32>
          %select_n3A_550 = arith.select %eq3A_549, %broadcast_in_dim3A_85, %broadcast_in_dim3A_87 : vector<16xi1>, vector<16xi32>
          %lt3A_551 = arith.cmpi slt, %select_n3A_523, %gather3A_546 : vector<16xi32>
          %select_n3A_552 = arith.select %lt3A_551, %broadcast_in_dim3A_85, %broadcast_in_dim3A_87 : vector<16xi1>, vector<16xi32>
          %and3A_553 = arith.andi %select_n3A_550, %select_n3A_552 : vector<16xi32>
          %or3A_554 = arith.ori %select_n3A_548, %and3A_553 : vector<16xi32>
          %and3A_555 = arith.constant 8 : i32
          %and3A_556 = vector.broadcast %and3A_555 : i32 to vector<16xi32>
          %and3A_557 = arith.andi %iota3A, %and3A_556 : vector<16xi32>
          %eq3A_558 = arith.constant 0 : i32
          %eq3A_559 = vector.broadcast %eq3A_558 : i32 to vector<16xi32>
          %eq3A_560 = arith.cmpi eq, %and3A_557, %eq3A_559 : vector<16xi32>
          %select_n3A_561 = arith.select %eq3A_560, %broadcast_in_dim3A_85, %broadcast_in_dim3A_87 : vector<16xi1>, vector<16xi32>
          %xor3A_562 = arith.xori %broadcast_in_dim3A_85, %select_n3A_561 : vector<16xi32>
          %and3A_563 = arith.constant 16 : i32
          %and3A_564 = vector.broadcast %and3A_563 : i32 to vector<16xi32>
          %and3A_565 = arith.andi %iota3A, %and3A_564 : vector<16xi32>
          %eq3A_566 = arith.constant 0 : i32
          %eq3A_567 = vector.broadcast %eq3A_566 : i32 to vector<16xi32>
          %eq3A_568 = arith.cmpi eq, %and3A_565, %eq3A_567 : vector<16xi32>
          %select_n3A_569 = arith.select %eq3A_568, %broadcast_in_dim3A_85, %broadcast_in_dim3A_87 : vector<16xi1>, vector<16xi32>
          %xor3A_570 = arith.xori %xor3A_562, %select_n3A_569 : vector<16xi32>
          %xor3A_571 = arith.xori %xor3A_570, %or3A_554 : vector<16xi32>
          %eq3A_572 = arith.constant 0 : i32
          %eq3A_573 = vector.broadcast %eq3A_572 : i32 to vector<16xi32>
          %eq3A_574 = arith.cmpi eq, %xor3A_571, %eq3A_573 : vector<16xi32>
          %select_n3A_575 = arith.select %eq3A_574, %select_n3A_522, %gather3A_536 : vector<16xi1>, vector<16xf32>
          %select_n3A_576 = arith.select %eq3A_574, %select_n3A_523, %gather3A_546 : vector<16xi1>, vector<16xi32>
          %xor3A_577 = arith.constant 4 : i32
          %xor3A_578 = vector.broadcast %xor3A_577 : i32 to vector<16xi32>
          %xor3A_579 = arith.xori %iota3A, %xor3A_578 : vector<16xi32>
          %lt3A_580 = arith.constant 0 : i32
          %lt3A_581 = vector.broadcast %lt3A_580 : i32 to vector<16xi32>
          %lt3A_582 = arith.cmpi slt, %xor3A_579, %lt3A_581 : vector<16xi32>
          %add3A_583 = arith.constant 16 : i32
          %add3A_584 = vector.broadcast %add3A_583 : i32 to vector<16xi32>
          %add3A_585 = arith.addi %xor3A_579, %add3A_584 : vector<16xi32>
          %select_n3A_586 = arith.select %lt3A_582, %add3A_585, %xor3A_579 : vector<16xi1>, vector<16xi32>
          %broadcast_in_dim3A_587 = vector.shape_cast %select_n3A_586 : vector<16xi32> to vector<16x1xi32>
          %gather3A_588 = vector.shape_cast %broadcast_in_dim3A_587 : vector<16x1xi32> to vector<16xi32>
          %gather3A_589 = tpu.dynamic_gather %select_n3A_575[%gather3A_588] in [0] : vector<16xf32>, vector<16xi32> -> vector<16xf32>
          %lt3A_590 = arith.constant 0 : i32
          %lt3A_591 = vector.broadcast %lt3A_590 : i32 to vector<16xi32>
          %lt3A_592 = arith.cmpi slt, %xor3A_579, %lt3A_591 : vector<16xi32>
          %add3A_593 = arith.constant 16 : i32
          %add3A_594 = vector.broadcast %add3A_593 : i32 to vector<16xi32>
          %add3A_595 = arith.addi %xor3A_579, %add3A_594 : vector<16xi32>
          %select_n3A_596 = arith.select %lt3A_592, %add3A_595, %xor3A_579 : vector<16xi1>, vector<16xi32>
          %broadcast_in_dim3A_597 = vector.shape_cast %select_n3A_596 : vector<16xi32> to vector<16x1xi32>
          %gather3A_598 = vector.shape_cast %broadcast_in_dim3A_597 : vector<16x1xi32> to vector<16xi32>
          %gather3A_599 = tpu.dynamic_gather %select_n3A_576[%gather3A_598] in [0] : vector<16xi32>, vector<16xi32> -> vector<16xi32>
          %lt3A_600 = arith.cmpf olt, %select_n3A_575, %gather3A_589 : vector<16xf32>
          %select_n3A_601 = arith.select %lt3A_600, %broadcast_in_dim3A_85, %broadcast_in_dim3A_87 : vector<16xi1>, vector<16xi32>
          %eq3A_602 = arith.cmpf oeq, %select_n3A_575, %gather3A_589 : vector<16xf32>
          %select_n3A_603 = arith.select %eq3A_602, %broadcast_in_dim3A_85, %broadcast_in_dim3A_87 : vector<16xi1>, vector<16xi32>
          %lt3A_604 = arith.cmpi slt, %select_n3A_576, %gather3A_599 : vector<16xi32>
          %select_n3A_605 = arith.select %lt3A_604, %broadcast_in_dim3A_85, %broadcast_in_dim3A_87 : vector<16xi1>, vector<16xi32>
          %and3A_606 = arith.andi %select_n3A_603, %select_n3A_605 : vector<16xi32>
          %or3A_607 = arith.ori %select_n3A_601, %and3A_606 : vector<16xi32>
          %and3A_608 = arith.constant 4 : i32
          %and3A_609 = vector.broadcast %and3A_608 : i32 to vector<16xi32>
          %and3A_610 = arith.andi %iota3A, %and3A_609 : vector<16xi32>
          %eq3A_611 = arith.constant 0 : i32
          %eq3A_612 = vector.broadcast %eq3A_611 : i32 to vector<16xi32>
          %eq3A_613 = arith.cmpi eq, %and3A_610, %eq3A_612 : vector<16xi32>
          %select_n3A_614 = arith.select %eq3A_613, %broadcast_in_dim3A_85, %broadcast_in_dim3A_87 : vector<16xi1>, vector<16xi32>
          %xor3A_615 = arith.xori %broadcast_in_dim3A_85, %select_n3A_614 : vector<16xi32>
          %and3A_616 = arith.constant 16 : i32
          %and3A_617 = vector.broadcast %and3A_616 : i32 to vector<16xi32>
          %and3A_618 = arith.andi %iota3A, %and3A_617 : vector<16xi32>
          %eq3A_619 = arith.constant 0 : i32
          %eq3A_620 = vector.broadcast %eq3A_619 : i32 to vector<16xi32>
          %eq3A_621 = arith.cmpi eq, %and3A_618, %eq3A_620 : vector<16xi32>
          %select_n3A_622 = arith.select %eq3A_621, %broadcast_in_dim3A_85, %broadcast_in_dim3A_87 : vector<16xi1>, vector<16xi32>
          %xor3A_623 = arith.xori %xor3A_615, %select_n3A_622 : vector<16xi32>
          %xor3A_624 = arith.xori %xor3A_623, %or3A_607 : vector<16xi32>
          %eq3A_625 = arith.constant 0 : i32
          %eq3A_626 = vector.broadcast %eq3A_625 : i32 to vector<16xi32>
          %eq3A_627 = arith.cmpi eq, %xor3A_624, %eq3A_626 : vector<16xi32>
          %select_n3A_628 = arith.select %eq3A_627, %select_n3A_575, %gather3A_589 : vector<16xi1>, vector<16xf32>
          %select_n3A_629 = arith.select %eq3A_627, %select_n3A_576, %gather3A_599 : vector<16xi1>, vector<16xi32>
          %xor3A_630 = arith.constant 2 : i32
          %xor3A_631 = vector.broadcast %xor3A_630 : i32 to vector<16xi32>
          %xor3A_632 = arith.xori %iota3A, %xor3A_631 : vector<16xi32>
          %lt3A_633 = arith.constant 0 : i32
          %lt3A_634 = vector.broadcast %lt3A_633 : i32 to vector<16xi32>
          %lt3A_635 = arith.cmpi slt, %xor3A_632, %lt3A_634 : vector<16xi32>
          %add3A_636 = arith.constant 16 : i32
          %add3A_637 = vector.broadcast %add3A_636 : i32 to vector<16xi32>
          %add3A_638 = arith.addi %xor3A_632, %add3A_637 : vector<16xi32>
          %select_n3A_639 = arith.select %lt3A_635, %add3A_638, %xor3A_632 : vector<16xi1>, vector<16xi32>
          %broadcast_in_dim3A_640 = vector.shape_cast %select_n3A_639 : vector<16xi32> to vector<16x1xi32>
          %gather3A_641 = vector.shape_cast %broadcast_in_dim3A_640 : vector<16x1xi32> to vector<16xi32>
          %gather3A_642 = tpu.dynamic_gather %select_n3A_628[%gather3A_641] in [0] : vector<16xf32>, vector<16xi32> -> vector<16xf32>
          %lt3A_643 = arith.constant 0 : i32
          %lt3A_644 = vector.broadcast %lt3A_643 : i32 to vector<16xi32>
          %lt3A_645 = arith.cmpi slt, %xor3A_632, %lt3A_644 : vector<16xi32>
          %add3A_646 = arith.constant 16 : i32
          %add3A_647 = vector.broadcast %add3A_646 : i32 to vector<16xi32>
          %add3A_648 = arith.addi %xor3A_632, %add3A_647 : vector<16xi32>
          %select_n3A_649 = arith.select %lt3A_645, %add3A_648, %xor3A_632 : vector<16xi1>, vector<16xi32>
          %broadcast_in_dim3A_650 = vector.shape_cast %select_n3A_649 : vector<16xi32> to vector<16x1xi32>
          %gather3A_651 = vector.shape_cast %broadcast_in_dim3A_650 : vector<16x1xi32> to vector<16xi32>
          %gather3A_652 = tpu.dynamic_gather %select_n3A_629[%gather3A_651] in [0] : vector<16xi32>, vector<16xi32> -> vector<16xi32>
          %lt3A_653 = arith.cmpf olt, %select_n3A_628, %gather3A_642 : vector<16xf32>
          %select_n3A_654 = arith.select %lt3A_653, %broadcast_in_dim3A_85, %broadcast_in_dim3A_87 : vector<16xi1>, vector<16xi32>
          %eq3A_655 = arith.cmpf oeq, %select_n3A_628, %gather3A_642 : vector<16xf32>
          %select_n3A_656 = arith.select %eq3A_655, %broadcast_in_dim3A_85, %broadcast_in_dim3A_87 : vector<16xi1>, vector<16xi32>
          %lt3A_657 = arith.cmpi slt, %select_n3A_629, %gather3A_652 : vector<16xi32>
          %select_n3A_658 = arith.select %lt3A_657, %broadcast_in_dim3A_85, %broadcast_in_dim3A_87 : vector<16xi1>, vector<16xi32>
          %and3A_659 = arith.andi %select_n3A_656, %select_n3A_658 : vector<16xi32>
          %or3A_660 = arith.ori %select_n3A_654, %and3A_659 : vector<16xi32>
          %and3A_661 = arith.constant 2 : i32
          %and3A_662 = vector.broadcast %and3A_661 : i32 to vector<16xi32>
          %and3A_663 = arith.andi %iota3A, %and3A_662 : vector<16xi32>
          %eq3A_664 = arith.constant 0 : i32
          %eq3A_665 = vector.broadcast %eq3A_664 : i32 to vector<16xi32>
          %eq3A_666 = arith.cmpi eq, %and3A_663, %eq3A_665 : vector<16xi32>
          %select_n3A_667 = arith.select %eq3A_666, %broadcast_in_dim3A_85, %broadcast_in_dim3A_87 : vector<16xi1>, vector<16xi32>
          %xor3A_668 = arith.xori %broadcast_in_dim3A_85, %select_n3A_667 : vector<16xi32>
          %and3A_669 = arith.constant 16 : i32
          %and3A_670 = vector.broadcast %and3A_669 : i32 to vector<16xi32>
          %and3A_671 = arith.andi %iota3A, %and3A_670 : vector<16xi32>
          %eq3A_672 = arith.constant 0 : i32
          %eq3A_673 = vector.broadcast %eq3A_672 : i32 to vector<16xi32>
          %eq3A_674 = arith.cmpi eq, %and3A_671, %eq3A_673 : vector<16xi32>
          %select_n3A_675 = arith.select %eq3A_674, %broadcast_in_dim3A_85, %broadcast_in_dim3A_87 : vector<16xi1>, vector<16xi32>
          %xor3A_676 = arith.xori %xor3A_668, %select_n3A_675 : vector<16xi32>
          %xor3A_677 = arith.xori %xor3A_676, %or3A_660 : vector<16xi32>
          %eq3A_678 = arith.constant 0 : i32
          %eq3A_679 = vector.broadcast %eq3A_678 : i32 to vector<16xi32>
          %eq3A_680 = arith.cmpi eq, %xor3A_677, %eq3A_679 : vector<16xi32>
          %select_n3A_681 = arith.select %eq3A_680, %select_n3A_628, %gather3A_642 : vector<16xi1>, vector<16xf32>
          %select_n3A_682 = arith.select %eq3A_680, %select_n3A_629, %gather3A_652 : vector<16xi1>, vector<16xi32>
          %xor3A_683 = arith.constant 1 : i32
          %xor3A_684 = vector.broadcast %xor3A_683 : i32 to vector<16xi32>
          %xor3A_685 = arith.xori %iota3A, %xor3A_684 : vector<16xi32>
          %lt3A_686 = arith.constant 0 : i32
          %lt3A_687 = vector.broadcast %lt3A_686 : i32 to vector<16xi32>
          %lt3A_688 = arith.cmpi slt, %xor3A_685, %lt3A_687 : vector<16xi32>
          %add3A_689 = arith.constant 16 : i32
          %add3A_690 = vector.broadcast %add3A_689 : i32 to vector<16xi32>
          %add3A_691 = arith.addi %xor3A_685, %add3A_690 : vector<16xi32>
          %select_n3A_692 = arith.select %lt3A_688, %add3A_691, %xor3A_685 : vector<16xi1>, vector<16xi32>
          %broadcast_in_dim3A_693 = vector.shape_cast %select_n3A_692 : vector<16xi32> to vector<16x1xi32>
          %gather3A_694 = vector.shape_cast %broadcast_in_dim3A_693 : vector<16x1xi32> to vector<16xi32>
          %gather3A_695 = tpu.dynamic_gather %select_n3A_681[%gather3A_694] in [0] : vector<16xf32>, vector<16xi32> -> vector<16xf32>
          %lt3A_696 = arith.constant 0 : i32
          %lt3A_697 = vector.broadcast %lt3A_696 : i32 to vector<16xi32>
          %lt3A_698 = arith.cmpi slt, %xor3A_685, %lt3A_697 : vector<16xi32>
          %add3A_699 = arith.constant 16 : i32
          %add3A_700 = vector.broadcast %add3A_699 : i32 to vector<16xi32>
          %add3A_701 = arith.addi %xor3A_685, %add3A_700 : vector<16xi32>
          %select_n3A_702 = arith.select %lt3A_698, %add3A_701, %xor3A_685 : vector<16xi1>, vector<16xi32>
          %broadcast_in_dim3A_703 = vector.shape_cast %select_n3A_702 : vector<16xi32> to vector<16x1xi32>
          %gather3A_704 = vector.shape_cast %broadcast_in_dim3A_703 : vector<16x1xi32> to vector<16xi32>
          %gather3A_705 = tpu.dynamic_gather %select_n3A_682[%gather3A_704] in [0] : vector<16xi32>, vector<16xi32> -> vector<16xi32>
          %lt3A_706 = arith.cmpf olt, %select_n3A_681, %gather3A_695 : vector<16xf32>
          %select_n3A_707 = arith.select %lt3A_706, %broadcast_in_dim3A_85, %broadcast_in_dim3A_87 : vector<16xi1>, vector<16xi32>
          %eq3A_708 = arith.cmpf oeq, %select_n3A_681, %gather3A_695 : vector<16xf32>
          %select_n3A_709 = arith.select %eq3A_708, %broadcast_in_dim3A_85, %broadcast_in_dim3A_87 : vector<16xi1>, vector<16xi32>
          %lt3A_710 = arith.cmpi slt, %select_n3A_682, %gather3A_705 : vector<16xi32>
          %select_n3A_711 = arith.select %lt3A_710, %broadcast_in_dim3A_85, %broadcast_in_dim3A_87 : vector<16xi1>, vector<16xi32>
          %and3A_712 = arith.andi %select_n3A_709, %select_n3A_711 : vector<16xi32>
          %or3A_713 = arith.ori %select_n3A_707, %and3A_712 : vector<16xi32>
          %and3A_714 = arith.constant 1 : i32
          %and3A_715 = vector.broadcast %and3A_714 : i32 to vector<16xi32>
          %and3A_716 = arith.andi %iota3A, %and3A_715 : vector<16xi32>
          %eq3A_717 = arith.constant 0 : i32
          %eq3A_718 = vector.broadcast %eq3A_717 : i32 to vector<16xi32>
          %eq3A_719 = arith.cmpi eq, %and3A_716, %eq3A_718 : vector<16xi32>
          %select_n3A_720 = arith.select %eq3A_719, %broadcast_in_dim3A_85, %broadcast_in_dim3A_87 : vector<16xi1>, vector<16xi32>
          %xor3A_721 = arith.xori %broadcast_in_dim3A_85, %select_n3A_720 : vector<16xi32>
          %and3A_722 = arith.constant 16 : i32
          %and3A_723 = vector.broadcast %and3A_722 : i32 to vector<16xi32>
          %and3A_724 = arith.andi %iota3A, %and3A_723 : vector<16xi32>
          %eq3A_725 = arith.constant 0 : i32
          %eq3A_726 = vector.broadcast %eq3A_725 : i32 to vector<16xi32>
          %eq3A_727 = arith.cmpi eq, %and3A_724, %eq3A_726 : vector<16xi32>
          %select_n3A_728 = arith.select %eq3A_727, %broadcast_in_dim3A_85, %broadcast_in_dim3A_87 : vector<16xi1>, vector<16xi32>
          %xor3A_729 = arith.xori %xor3A_721, %select_n3A_728 : vector<16xi32>
          %xor3A_730 = arith.xori %xor3A_729, %or3A_713 : vector<16xi32>
          %eq3A_731 = arith.constant 0 : i32
          %eq3A_732 = vector.broadcast %eq3A_731 : i32 to vector<16xi32>
          %eq3A_733 = arith.cmpi eq, %xor3A_730, %eq3A_732 : vector<16xi32>
          %select_n3A_734 = arith.select %eq3A_733, %select_n3A_681, %gather3A_695 : vector<16xi1>, vector<16xf32>
          %select_n3A_735 = arith.select %eq3A_733, %select_n3A_682, %gather3A_705 : vector<16xi1>, vector<16xi32>
          %sub3A_736 = arith.constant 15 : i32
          %sub3A_737 = vector.broadcast %sub3A_736 : i32 to vector<16xi32>
          %sub3A_738 = arith.subi %sub3A_737, %iota3A : vector<16xi32>
          %lt3A_739 = arith.constant 0 : i32
          %lt3A_740 = vector.broadcast %lt3A_739 : i32 to vector<16xi32>
          %lt3A_741 = arith.cmpi slt, %sub3A_738, %lt3A_740 : vector<16xi32>
          %add3A_742 = arith.constant 16 : i32
          %add3A_743 = vector.broadcast %add3A_742 : i32 to vector<16xi32>
          %add3A_744 = arith.addi %sub3A_738, %add3A_743 : vector<16xi32>
          %select_n3A_745 = arith.select %lt3A_741, %add3A_744, %sub3A_738 : vector<16xi1>, vector<16xi32>
          %broadcast_in_dim3A_746 = vector.shape_cast %select_n3A_745 : vector<16xi32> to vector<16x1xi32>
          %gather3A_747 = vector.shape_cast %broadcast_in_dim3A_746 : vector<16x1xi32> to vector<16xi32>
          %gather3A_748 = tpu.dynamic_gather %select_n3A_734[%gather3A_747] in [0] : vector<16xf32>, vector<16xi32> -> vector<16xf32>
          %lt3A_749 = arith.constant 0 : i32
          %lt3A_750 = vector.broadcast %lt3A_749 : i32 to vector<16xi32>
          %lt3A_751 = arith.cmpi slt, %sub3A_738, %lt3A_750 : vector<16xi32>
          %add3A_752 = arith.constant 16 : i32
          %add3A_753 = vector.broadcast %add3A_752 : i32 to vector<16xi32>
          %add3A_754 = arith.addi %sub3A_738, %add3A_753 : vector<16xi32>
          %select_n3A_755 = arith.select %lt3A_751, %add3A_754, %sub3A_738 : vector<16xi1>, vector<16xi32>
          %broadcast_in_dim3A_756 = vector.shape_cast %select_n3A_755 : vector<16xi32> to vector<16x1xi32>
          %gather3A_757 = vector.shape_cast %broadcast_in_dim3A_756 : vector<16x1xi32> to vector<16xi32>
          %gather3A_758 = tpu.dynamic_gather %select_n3A_735[%gather3A_757] in [0] : vector<16xi32>, vector<16xi32> -> vector<16xi32>
          %get3A_759 = arith.constant 0 : index
          %get3A_760 = tpu.vector_load %arg12[%get3A_759] {strides = array<i32>} : memref<16xf32, #tpu.memory_space<vmem>>, vector<16xf32>,
          %get3A_761 = vector.shape_cast %get3A_760 : vector<16xf32> to vector<16xf32>
          %get3A_762 = arith.constant 0 : index
          %get3A_763 = tpu.vector_load %arg13[%get3A_762] {strides = array<i32>} : memref<16xi32, #tpu.memory_space<vmem>>, vector<16xi32>,
          %get3A_764 = vector.shape_cast %get3A_763 : vector<16xi32> to vector<16xi32>
          %le3A = arith.cmpf ole, %get3A_761, %gather3A_748 : vector<16xf32>
          %select_n3A_765 = arith.select %le3A, %get3A_761, %gather3A_748 : vector<16xi1>, vector<16xf32>
          %select_n3A_766 = arith.select %le3A, %get3A_764, %gather3A_758 : vector<16xi1>, vector<16xi32>
          %xor3A_767 = arith.constant 8 : i32
          %xor3A_768 = vector.broadcast %xor3A_767 : i32 to vector<16xi32>
          %xor3A_769 = arith.xori %iota3A, %xor3A_768 : vector<16xi32>
          %lt3A_770 = arith.constant 0 : i32
          %lt3A_771 = vector.broadcast %lt3A_770 : i32 to vector<16xi32>
          %lt3A_772 = arith.cmpi slt, %xor3A_769, %lt3A_771 : vector<16xi32>
          %add3A_773 = arith.constant 16 : i32
          %add3A_774 = vector.broadcast %add3A_773 : i32 to vector<16xi32>
          %add3A_775 = arith.addi %xor3A_769, %add3A_774 : vector<16xi32>
          %select_n3A_776 = arith.select %lt3A_772, %add3A_775, %xor3A_769 : vector<16xi1>, vector<16xi32>
          %broadcast_in_dim3A_777 = vector.shape_cast %select_n3A_776 : vector<16xi32> to vector<16x1xi32>
          %gather3A_778 = vector.shape_cast %broadcast_in_dim3A_777 : vector<16x1xi32> to vector<16xi32>
          %gather3A_779 = tpu.dynamic_gather %select_n3A_765[%gather3A_778] in [0] : vector<16xf32>, vector<16xi32> -> vector<16xf32>
          %lt3A_780 = arith.constant 0 : i32
          %lt3A_781 = vector.broadcast %lt3A_780 : i32 to vector<16xi32>
          %lt3A_782 = arith.cmpi slt, %xor3A_769, %lt3A_781 : vector<16xi32>
          %add3A_783 = arith.constant 16 : i32
          %add3A_784 = vector.broadcast %add3A_783 : i32 to vector<16xi32>
          %add3A_785 = arith.addi %xor3A_769, %add3A_784 : vector<16xi32>
          %select_n3A_786 = arith.select %lt3A_782, %add3A_785, %xor3A_769 : vector<16xi1>, vector<16xi32>
          %broadcast_in_dim3A_787 = vector.shape_cast %select_n3A_786 : vector<16xi32> to vector<16x1xi32>
          %gather3A_788 = vector.shape_cast %broadcast_in_dim3A_787 : vector<16x1xi32> to vector<16xi32>
          %gather3A_789 = tpu.dynamic_gather %select_n3A_766[%gather3A_788] in [0] : vector<16xi32>, vector<16xi32> -> vector<16xi32>
          %lt3A_790 = arith.cmpf olt, %select_n3A_765, %gather3A_779 : vector<16xf32>
          %select_n3A_791 = arith.select %lt3A_790, %broadcast_in_dim3A_85, %broadcast_in_dim3A_87 : vector<16xi1>, vector<16xi32>
          %eq3A_792 = arith.cmpf oeq, %select_n3A_765, %gather3A_779 : vector<16xf32>
          %select_n3A_793 = arith.select %eq3A_792, %broadcast_in_dim3A_85, %broadcast_in_dim3A_87 : vector<16xi1>, vector<16xi32>
          %lt3A_794 = arith.cmpi slt, %select_n3A_766, %gather3A_789 : vector<16xi32>
          %select_n3A_795 = arith.select %lt3A_794, %broadcast_in_dim3A_85, %broadcast_in_dim3A_87 : vector<16xi1>, vector<16xi32>
          %and3A_796 = arith.andi %select_n3A_793, %select_n3A_795 : vector<16xi32>
          %or3A_797 = arith.ori %select_n3A_791, %and3A_796 : vector<16xi32>
          %and3A_798 = arith.constant 8 : i32
          %and3A_799 = vector.broadcast %and3A_798 : i32 to vector<16xi32>
          %and3A_800 = arith.andi %iota3A, %and3A_799 : vector<16xi32>
          %eq3A_801 = arith.constant 0 : i32
          %eq3A_802 = vector.broadcast %eq3A_801 : i32 to vector<16xi32>
          %eq3A_803 = arith.cmpi eq, %and3A_800, %eq3A_802 : vector<16xi32>
          %select_n3A_804 = arith.select %eq3A_803, %broadcast_in_dim3A_85, %broadcast_in_dim3A_87 : vector<16xi1>, vector<16xi32>
          %xor3A_805 = arith.xori %select_n3A_804, %or3A_797 : vector<16xi32>
          %eq3A_806 = arith.constant 0 : i32
          %eq3A_807 = vector.broadcast %eq3A_806 : i32 to vector<16xi32>
          %eq3A_808 = arith.cmpi eq, %xor3A_805, %eq3A_807 : vector<16xi32>
          %select_n3A_809 = arith.select %eq3A_808, %select_n3A_765, %gather3A_779 : vector<16xi1>, vector<16xf32>
          %select_n3A_810 = arith.select %eq3A_808, %select_n3A_766, %gather3A_789 : vector<16xi1>, vector<16xi32>
          %xor3A_811 = arith.constant 4 : i32
          %xor3A_812 = vector.broadcast %xor3A_811 : i32 to vector<16xi32>
          %xor3A_813 = arith.xori %iota3A, %xor3A_812 : vector<16xi32>
          %lt3A_814 = arith.constant 0 : i32
          %lt3A_815 = vector.broadcast %lt3A_814 : i32 to vector<16xi32>
          %lt3A_816 = arith.cmpi slt, %xor3A_813, %lt3A_815 : vector<16xi32>
          %add3A_817 = arith.constant 16 : i32
          %add3A_818 = vector.broadcast %add3A_817 : i32 to vector<16xi32>
          %add3A_819 = arith.addi %xor3A_813, %add3A_818 : vector<16xi32>
          %select_n3A_820 = arith.select %lt3A_816, %add3A_819, %xor3A_813 : vector<16xi1>, vector<16xi32>
          %broadcast_in_dim3A_821 = vector.shape_cast %select_n3A_820 : vector<16xi32> to vector<16x1xi32>
          %gather3A_822 = vector.shape_cast %broadcast_in_dim3A_821 : vector<16x1xi32> to vector<16xi32>
          %gather3A_823 = tpu.dynamic_gather %select_n3A_809[%gather3A_822] in [0] : vector<16xf32>, vector<16xi32> -> vector<16xf32>
          %lt3A_824 = arith.constant 0 : i32
          %lt3A_825 = vector.broadcast %lt3A_824 : i32 to vector<16xi32>
          %lt3A_826 = arith.cmpi slt, %xor3A_813, %lt3A_825 : vector<16xi32>
          %add3A_827 = arith.constant 16 : i32
          %add3A_828 = vector.broadcast %add3A_827 : i32 to vector<16xi32>
          %add3A_829 = arith.addi %xor3A_813, %add3A_828 : vector<16xi32>
          %select_n3A_830 = arith.select %lt3A_826, %add3A_829, %xor3A_813 : vector<16xi1>, vector<16xi32>
          %broadcast_in_dim3A_831 = vector.shape_cast %select_n3A_830 : vector<16xi32> to vector<16x1xi32>
          %gather3A_832 = vector.shape_cast %broadcast_in_dim3A_831 : vector<16x1xi32> to vector<16xi32>
          %gather3A_833 = tpu.dynamic_gather %select_n3A_810[%gather3A_832] in [0] : vector<16xi32>, vector<16xi32> -> vector<16xi32>
          %lt3A_834 = arith.cmpf olt, %select_n3A_809, %gather3A_823 : vector<16xf32>
          %select_n3A_835 = arith.select %lt3A_834, %broadcast_in_dim3A_85, %broadcast_in_dim3A_87 : vector<16xi1>, vector<16xi32>
          %eq3A_836 = arith.cmpf oeq, %select_n3A_809, %gather3A_823 : vector<16xf32>
          %select_n3A_837 = arith.select %eq3A_836, %broadcast_in_dim3A_85, %broadcast_in_dim3A_87 : vector<16xi1>, vector<16xi32>
          %lt3A_838 = arith.cmpi slt, %select_n3A_810, %gather3A_833 : vector<16xi32>
          %select_n3A_839 = arith.select %lt3A_838, %broadcast_in_dim3A_85, %broadcast_in_dim3A_87 : vector<16xi1>, vector<16xi32>
          %and3A_840 = arith.andi %select_n3A_837, %select_n3A_839 : vector<16xi32>
          %or3A_841 = arith.ori %select_n3A_835, %and3A_840 : vector<16xi32>
          %and3A_842 = arith.constant 4 : i32
          %and3A_843 = vector.broadcast %and3A_842 : i32 to vector<16xi32>
          %and3A_844 = arith.andi %iota3A, %and3A_843 : vector<16xi32>
          %eq3A_845 = arith.constant 0 : i32
          %eq3A_846 = vector.broadcast %eq3A_845 : i32 to vector<16xi32>
          %eq3A_847 = arith.cmpi eq, %and3A_844, %eq3A_846 : vector<16xi32>
          %select_n3A_848 = arith.select %eq3A_847, %broadcast_in_dim3A_85, %broadcast_in_dim3A_87 : vector<16xi1>, vector<16xi32>
          %xor3A_849 = arith.xori %select_n3A_848, %or3A_841 : vector<16xi32>
          %eq3A_850 = arith.constant 0 : i32
          %eq3A_851 = vector.broadcast %eq3A_850 : i32 to vector<16xi32>
          %eq3A_852 = arith.cmpi eq, %xor3A_849, %eq3A_851 : vector<16xi32>
          %select_n3A_853 = arith.select %eq3A_852, %select_n3A_809, %gather3A_823 : vector<16xi1>, vector<16xf32>
          %select_n3A_854 = arith.select %eq3A_852, %select_n3A_810, %gather3A_833 : vector<16xi1>, vector<16xi32>
          %xor3A_855 = arith.constant 2 : i32
          %xor3A_856 = vector.broadcast %xor3A_855 : i32 to vector<16xi32>
          %xor3A_857 = arith.xori %iota3A, %xor3A_856 : vector<16xi32>
          %lt3A_858 = arith.constant 0 : i32
          %lt3A_859 = vector.broadcast %lt3A_858 : i32 to vector<16xi32>
          %lt3A_860 = arith.cmpi slt, %xor3A_857, %lt3A_859 : vector<16xi32>
          %add3A_861 = arith.constant 16 : i32
          %add3A_862 = vector.broadcast %add3A_861 : i32 to vector<16xi32>
          %add3A_863 = arith.addi %xor3A_857, %add3A_862 : vector<16xi32>
          %select_n3A_864 = arith.select %lt3A_860, %add3A_863, %xor3A_857 : vector<16xi1>, vector<16xi32>
          %broadcast_in_dim3A_865 = vector.shape_cast %select_n3A_864 : vector<16xi32> to vector<16x1xi32>
          %gather3A_866 = vector.shape_cast %broadcast_in_dim3A_865 : vector<16x1xi32> to vector<16xi32>
          %gather3A_867 = tpu.dynamic_gather %select_n3A_853[%gather3A_866] in [0] : vector<16xf32>, vector<16xi32> -> vector<16xf32>
          %lt3A_868 = arith.constant 0 : i32
          %lt3A_869 = vector.broadcast %lt3A_868 : i32 to vector<16xi32>
          %lt3A_870 = arith.cmpi slt, %xor3A_857, %lt3A_869 : vector<16xi32>
          %add3A_871 = arith.constant 16 : i32
          %add3A_872 = vector.broadcast %add3A_871 : i32 to vector<16xi32>
          %add3A_873 = arith.addi %xor3A_857, %add3A_872 : vector<16xi32>
          %select_n3A_874 = arith.select %lt3A_870, %add3A_873, %xor3A_857 : vector<16xi1>, vector<16xi32>
          %broadcast_in_dim3A_875 = vector.shape_cast %select_n3A_874 : vector<16xi32> to vector<16x1xi32>
          %gather3A_876 = vector.shape_cast %broadcast_in_dim3A_875 : vector<16x1xi32> to vector<16xi32>
          %gather3A_877 = tpu.dynamic_gather %select_n3A_854[%gather3A_876] in [0] : vector<16xi32>, vector<16xi32> -> vector<16xi32>
          %lt3A_878 = arith.cmpf olt, %select_n3A_853, %gather3A_867 : vector<16xf32>
          %select_n3A_879 = arith.select %lt3A_878, %broadcast_in_dim3A_85, %broadcast_in_dim3A_87 : vector<16xi1>, vector<16xi32>
          %eq3A_880 = arith.cmpf oeq, %select_n3A_853, %gather3A_867 : vector<16xf32>
          %select_n3A_881 = arith.select %eq3A_880, %broadcast_in_dim3A_85, %broadcast_in_dim3A_87 : vector<16xi1>, vector<16xi32>
          %lt3A_882 = arith.cmpi slt, %select_n3A_854, %gather3A_877 : vector<16xi32>
          %select_n3A_883 = arith.select %lt3A_882, %broadcast_in_dim3A_85, %broadcast_in_dim3A_87 : vector<16xi1>, vector<16xi32>
          %and3A_884 = arith.andi %select_n3A_881, %select_n3A_883 : vector<16xi32>
          %or3A_885 = arith.ori %select_n3A_879, %and3A_884 : vector<16xi32>
          %and3A_886 = arith.constant 2 : i32
          %and3A_887 = vector.broadcast %and3A_886 : i32 to vector<16xi32>
          %and3A_888 = arith.andi %iota3A, %and3A_887 : vector<16xi32>
          %eq3A_889 = arith.constant 0 : i32
          %eq3A_890 = vector.broadcast %eq3A_889 : i32 to vector<16xi32>
          %eq3A_891 = arith.cmpi eq, %and3A_888, %eq3A_890 : vector<16xi32>
          %select_n3A_892 = arith.select %eq3A_891, %broadcast_in_dim3A_85, %broadcast_in_dim3A_87 : vector<16xi1>, vector<16xi32>
          %xor3A_893 = arith.xori %select_n3A_892, %or3A_885 : vector<16xi32>
          %eq3A_894 = arith.constant 0 : i32
          %eq3A_895 = vector.broadcast %eq3A_894 : i32 to vector<16xi32>
          %eq3A_896 = arith.cmpi eq, %xor3A_893, %eq3A_895 : vector<16xi32>
          %select_n3A_897 = arith.select %eq3A_896, %select_n3A_853, %gather3A_867 : vector<16xi1>, vector<16xf32>
          %select_n3A_898 = arith.select %eq3A_896, %select_n3A_854, %gather3A_877 : vector<16xi1>, vector<16xi32>
          %xor3A_899 = arith.constant 1 : i32
          %xor3A_900 = vector.broadcast %xor3A_899 : i32 to vector<16xi32>
          %xor3A_901 = arith.xori %iota3A, %xor3A_900 : vector<16xi32>
          %lt3A_902 = arith.constant 0 : i32
          %lt3A_903 = vector.broadcast %lt3A_902 : i32 to vector<16xi32>
          %lt3A_904 = arith.cmpi slt, %xor3A_901, %lt3A_903 : vector<16xi32>
          %add3A_905 = arith.constant 16 : i32
          %add3A_906 = vector.broadcast %add3A_905 : i32 to vector<16xi32>
          %add3A_907 = arith.addi %xor3A_901, %add3A_906 : vector<16xi32>
          %select_n3A_908 = arith.select %lt3A_904, %add3A_907, %xor3A_901 : vector<16xi1>, vector<16xi32>
          %broadcast_in_dim3A_909 = vector.shape_cast %select_n3A_908 : vector<16xi32> to vector<16x1xi32>
          %gather3A_910 = vector.shape_cast %broadcast_in_dim3A_909 : vector<16x1xi32> to vector<16xi32>
          %gather3A_911 = tpu.dynamic_gather %select_n3A_897[%gather3A_910] in [0] : vector<16xf32>, vector<16xi32> -> vector<16xf32>
          %lt3A_912 = arith.constant 0 : i32
          %lt3A_913 = vector.broadcast %lt3A_912 : i32 to vector<16xi32>
          %lt3A_914 = arith.cmpi slt, %xor3A_901, %lt3A_913 : vector<16xi32>
          %add3A_915 = arith.constant 16 : i32
          %add3A_916 = vector.broadcast %add3A_915 : i32 to vector<16xi32>
          %add3A_917 = arith.addi %xor3A_901, %add3A_916 : vector<16xi32>
          %select_n3A_918 = arith.select %lt3A_914, %add3A_917, %xor3A_901 : vector<16xi1>, vector<16xi32>
          %broadcast_in_dim3A_919 = vector.shape_cast %select_n3A_918 : vector<16xi32> to vector<16x1xi32>
          %gather3A_920 = vector.shape_cast %broadcast_in_dim3A_919 : vector<16x1xi32> to vector<16xi32>
          %gather3A_921 = tpu.dynamic_gather %select_n3A_898[%gather3A_920] in [0] : vector<16xi32>, vector<16xi32> -> vector<16xi32>
          %lt3A_922 = arith.cmpf olt, %select_n3A_897, %gather3A_911 : vector<16xf32>
          %select_n3A_923 = arith.select %lt3A_922, %broadcast_in_dim3A_85, %broadcast_in_dim3A_87 : vector<16xi1>, vector<16xi32>
          %eq3A_924 = arith.cmpf oeq, %select_n3A_897, %gather3A_911 : vector<16xf32>
          %select_n3A_925 = arith.select %eq3A_924, %broadcast_in_dim3A_85, %broadcast_in_dim3A_87 : vector<16xi1>, vector<16xi32>
          %lt3A_926 = arith.cmpi slt, %select_n3A_898, %gather3A_921 : vector<16xi32>
          %select_n3A_927 = arith.select %lt3A_926, %broadcast_in_dim3A_85, %broadcast_in_dim3A_87 : vector<16xi1>, vector<16xi32>
          %and3A_928 = arith.andi %select_n3A_925, %select_n3A_927 : vector<16xi32>
          %or3A_929 = arith.ori %select_n3A_923, %and3A_928 : vector<16xi32>
          %and3A_930 = arith.constant 1 : i32
          %and3A_931 = vector.broadcast %and3A_930 : i32 to vector<16xi32>
          %and3A_932 = arith.andi %iota3A, %and3A_931 : vector<16xi32>
          %eq3A_933 = arith.constant 0 : i32
          %eq3A_934 = vector.broadcast %eq3A_933 : i32 to vector<16xi32>
          %eq3A_935 = arith.cmpi eq, %and3A_932, %eq3A_934 : vector<16xi32>
          %select_n3A_936 = arith.select %eq3A_935, %broadcast_in_dim3A_85, %broadcast_in_dim3A_87 : vector<16xi1>, vector<16xi32>
          %xor3A_937 = arith.xori %select_n3A_936, %or3A_929 : vector<16xi32>
          %eq3A_938 = arith.constant 0 : i32
          %eq3A_939 = vector.broadcast %eq3A_938 : i32 to vector<16xi32>
          %eq3A_940 = arith.cmpi eq, %xor3A_937, %eq3A_939 : vector<16xi32>
          %select_n3A_941 = arith.select %eq3A_940, %select_n3A_897, %gather3A_911 : vector<16xi1>, vector<16xf32>
          %select_n3A_942 = arith.select %eq3A_940, %select_n3A_898, %gather3A_921 : vector<16xi1>, vector<16xi32>
          %swap3A_943 = arith.constant 0 : index
          %swap3A_944 = tpu.vector_load %arg12[%swap3A_943] {strides = array<i32>} : memref<16xf32, #tpu.memory_space<vmem>>, vector<16xf32>,
          %swap3A_945 = vector.shape_cast %swap3A_944 : vector<16xf32> to vector<16xf32>
          %swap3A_946 = vector.shape_cast %select_n3A_941 : vector<16xf32> to vector<16xf32>
          tpu.vector_store %arg12[%swap3A_943], %swap3A_946 {strides = array<i32>} : memref<16xf32, #tpu.memory_space<vmem>>, vector<16xf32>,
          %swap3A_947 = arith.constant 0 : index
          %swap3A_948 = tpu.vector_load %arg13[%swap3A_947] {strides = array<i32>} : memref<16xi32, #tpu.memory_space<vmem>>, vector<16xi32>,
          %swap3A_949 = vector.shape_cast %swap3A_948 : vector<16xi32> to vector<16xi32>
          %swap3A_950 = vector.shape_cast %select_n3A_942 : vector<16xi32> to vector<16xi32>
          tpu.vector_store %arg13[%swap3A_947], %swap3A_950 {strides = array<i32>} : memref<16xi32, #tpu.memory_space<vmem>>, vector<16xi32>,
        } else {
        }
      }
      %scan3A_104 = arith.constant 128 : i32
      %get3A_105 = arith.constant 0 : index
      %get3A_106 = tpu.vector_load %arg13[%get3A_105] {strides = array<i32>} : memref<16xi32, #tpu.memory_space<vmem>>, vector<16xi32>,
      %get3A_107 = vector.shape_cast %get3A_106 : vector<16xi32> to vector<16xi32>
      %add3A_108 = arith.constant 14336 : i32
      %add3A_109 = vector.broadcast %add3A_108 : i32 to vector<16xi32>
      %add3A_110 = arith.addi %get3A_107, %add3A_109 : vector<16xi32>
      %mul3A_111 = arith.constant 16 : i32
      %mul3A_112 = arith.muli %scan3A_14, %mul3A_111 : i32
      %swap3A_113 = arith.index_cast %mul3A_112 : i32 to index
      %swap3A_114 = tpu.vector_load %arg11[%swap3A_113] {strides = array<i32>} : memref<768xi32, #tpu.memory_space<vmem>>, vector<16xi32>,
      %swap3A_115 = vector.shape_cast %swap3A_114 : vector<16xi32> to vector<16xi32>
      %swap3A_116 = vector.shape_cast %add3A_110 : vector<16xi32> to vector<16xi32>
      tpu.vector_store %arg11[%swap3A_113], %swap3A_116 {strides = array<i32>} : memref<768xi32, #tpu.memory_space<vmem>>, vector<16xi32>,
    }
    %scan3A_9 = arith.constant 48 : i32
    %mul3A_10 = arith.constant 48 : i32
    %mul3A_11 = arith.muli %add3A, %mul3A_10 : i32
    %mul3A_12 = arith.constant 16 : i32
    %mul3A_13 = arith.muli %mul3A_11, %mul3A_12 : i32
    "tpu.region"() ({
      %run_scoped3A = tpu.sem_alloc : memref<!tpu.dma_semaphore, #tpu.memory_space<semaphore_mem>>
      %dma_start3A = tpu.memref_slice %arg6[%mul3A_13] : memref<24576xi32, #tpu.memory_space<hbm>> -> memref<768xi32, #tpu.memory_space<hbm>>
      %dma_start3A_14 = tpu.memref_slice %arg6[%mul3A_13] : memref<24576xi32, #tpu.memory_space<hbm>> -> memref<768xi32, #tpu.memory_space<hbm>>
      tpu.enqueue_dma source(%arg11 : memref<768xi32, #tpu.memory_space<vmem>>) target(%dma_start3A_14 : memref<768xi32, #tpu.memory_space<hbm>>) target_semaphore(%run_scoped3A : memref<!tpu.dma_semaphore, #tpu.memory_space<semaphore_mem>>)
      %dma_wait3A = tpu.memref_slice %arg6[%mul3A_13] : memref<24576xi32, #tpu.memory_space<hbm>> -> memref<768xi32, #tpu.memory_space<hbm>>
      %dma_wait3A_15 = tpu.memref_slice %arg6[%mul3A_13] : memref<24576xi32, #tpu.memory_space<hbm>> -> memref<768xi32, #tpu.memory_space<hbm>>
      tpu.wait_dma2 semaphore(%run_scoped3A : memref<!tpu.dma_semaphore, #tpu.memory_space<semaphore_mem>>) src(%arg11 : memref<768xi32, #tpu.memory_space<vmem>>) dst(%dma_wait3A_15 : memref<768xi32, #tpu.memory_space<hbm>>)
      tpu.yield
    }) : () -> ()
    return
  }
}

module attributes {stable_mosaic.version = 14 : i64} {
  func.func @_knn_block(%arg0: i32, %arg1: memref<1x512x8xf32, #tpu.memory_space<vmem>>, %arg2: memref<1x8x2048xf32, #tpu.memory_space<vmem>>, %arg3: memref<1x512x16xi32, #tpu.memory_space<vmem>>) attributes {dimension_semantics = [#tpu.dimension_semantics<arbitrary>], iteration_bounds = array<i64: 29>, scalar_prefetch = 0 : i64, scratch_operands = 0 : i64, tpu.core_type = #tpu.core_type<tc>, window_params = [{transform_indices = @transform_0, window_bounds = array<i64: 1, 512, 8>}, {transform_indices = @transform_1, window_bounds = array<i64: 1, 8, 2048>}, {transform_indices = @transform_2, window_bounds = array<i64: 1, 512, 16>}]} {
    %jit3A = arith.constant 4 : i32
    %div3A = arith.divsi %arg0, %jit3A : i32
    %sign3A = arith.constant 0 : i32
    %sign3A_0 = arith.cmpi sgt, %arg0, %sign3A : i32
    %sign3A_1 = arith.extui %sign3A_0 : i1 to i32
    %sign3A_2 = arith.constant 0 : i32
    %sign3A_3 = arith.cmpi slt, %arg0, %sign3A_2 : i32
    %sign3A_4 = arith.extui %sign3A_3 : i1 to i32
    %sign3A_5 = arith.subi %sign3A_1, %sign3A_4 : i32
    %sign3A_6 = arith.constant 0 : i32
    %sign3A_7 = arith.cmpi sgt, %jit3A, %sign3A_6 : i32
    %sign3A_8 = arith.extui %sign3A_7 : i1 to i32
    %sign3A_9 = arith.constant 0 : i32
    %sign3A_10 = arith.cmpi slt, %jit3A, %sign3A_9 : i32
    %sign3A_11 = arith.extui %sign3A_10 : i1 to i32
    %sign3A_12 = arith.subi %sign3A_8, %sign3A_11 : i32
    %ne3A = arith.cmpi ne, %sign3A_5, %sign3A_12 : i32
    %rem3A = arith.remsi %arg0, %jit3A : i32
    %ne3A_13 = arith.constant 0 : i32
    %ne3A_14 = arith.cmpi ne, %rem3A, %ne3A_13 : i32
    %and3A = arith.andi %ne3A, %ne3A_14 : i1
    %sub3A = arith.constant 1 : i32
    %sub3A_15 = arith.subi %div3A, %sub3A : i32
    %select_n3A = arith.select %and3A, %sub3A_15, %div3A : i32
    %get3A = arith.constant 0 : index
    %get3A_16 = arith.constant 0 : index
    %get3A_17 = arith.constant 0 : index
    %get3A_18 = vector.load %arg1[%get3A, %get3A_16, %get3A_17] : memref<1x512x8xf32, #tpu.memory_space<vmem>>, vector<1x512x8xf32>
    %get3A_19 = vector.shape_cast %get3A_18 : vector<1x512x8xf32> to vector<512x8xf32>
    %get3A_20 = arith.constant 0 : index
    %get3A_21 = arith.constant 0 : index
    %get3A_22 = arith.constant 0 : index
    %get3A_23 = vector.load %arg2[%get3A_20, %get3A_21, %get3A_22] : memref<1x8x2048xf32, #tpu.memory_space<vmem>>, vector<1x8x2048xf32>
    %get3A_24 = vector.shape_cast %get3A_23 : vector<1x8x2048xf32> to vector<8x2048xf32>
    %mul3A = arith.mulf %get3A_19, %get3A_19 : vector<512x8xf32>
    %reduce_sum3A = arith.constant dense<0.000000e+00> : vector<512xf32>
    %reduce_sum3A_25 = vector.multi_reduction <add>, %mul3A, %reduce_sum3A [1] : vector<512x8xf32> to vector<512xf32>
    %broadcast_in_dim3A = vector.shape_cast %reduce_sum3A_25 : vector<512xf32> to vector<512x1xf32>
    %mul3A_26 = arith.mulf %get3A_24, %get3A_24 : vector<8x2048xf32>
    %reduce_sum3A_27 = arith.constant dense<0.000000e+00> : vector<2048xf32>
    %reduce_sum3A_28 = vector.multi_reduction <add>, %mul3A_26, %reduce_sum3A_27 [0] : vector<8x2048xf32> to vector<2048xf32>
    %broadcast_in_dim3A_29 = vector.shape_cast %reduce_sum3A_28 : vector<2048xf32> to vector<1x2048xf32>
    %dot_general3A = arith.constant dense<0.000000e+00> : vector<512x2048xf32>
    %dot_general3A_30 = tpu.matmul %get3A_19, %get3A_24, %dot_general3A {dimension_numbers = #tpu.dot_dimension_numbers<[1], [0], [0], [1], [0, 0, 1, 1], [], []>, transpose_lhs_hint = false} : vector<512x8xf32>, vector<8x2048xf32>, vector<512x2048xf32> -> vector<512x2048xf32>
    %add3A = vector.broadcast %broadcast_in_dim3A : vector<512x1xf32> to vector<512x2048xf32>
    %add3A_31 = vector.broadcast %broadcast_in_dim3A_29 : vector<1x2048xf32> to vector<512x2048xf32>
    %add3A_32 = arith.addf %add3A, %add3A_31 : vector<512x2048xf32>
    %mul3A_33 = arith.constant 2.000000e+00 : f32
    %mul3A_34 = vector.broadcast %mul3A_33 : f32 to vector<512x2048xf32>
    %mul3A_35 = arith.mulf %mul3A_34, %dot_general3A_30 : vector<512x2048xf32>
    %sub3A_36 = arith.subf %add3A_32, %mul3A_35 : vector<512x2048xf32>
    %iota3A = tpu.iota {dimensions = array<i32: 1>} : vector<512x2048xi32>
    %convert_element_type3A = arith.sitofp %iota3A : vector<512x2048xi32> to vector<512x2048xf32>
    %reduce_min3A = arith.constant dense<0x7F800000> : vector<512xf32>
    %reduce_min3A_37 = vector.multi_reduction <minimumf>, %sub3A_36, %reduce_min3A [1] : vector<512x2048xf32> to vector<512xf32>
    %broadcast_in_dim3A_38 = vector.shape_cast %reduce_min3A_37 : vector<512xf32> to vector<512x1xf32>
    %le3A = vector.broadcast %broadcast_in_dim3A_38 : vector<512x1xf32> to vector<512x2048xf32>
    %le3A_39 = arith.cmpf ole, %sub3A_36, %le3A : vector<512x2048xf32>
    %jit3A_40 = arith.constant 2.048000e+03 : f32
    %broadcast_in_dim3A_41 = vector.broadcast %jit3A_40 : f32 to vector<512x2048xf32>
    %select_n3A_42 = arith.select %le3A_39, %convert_element_type3A, %broadcast_in_dim3A_41 : vector<512x2048xi1>, vector<512x2048xf32>
    %reduce_min3A_43 = arith.constant dense<0x7F800000> : vector<512xf32>
    %reduce_min3A_44 = vector.multi_reduction <minimumf>, %select_n3A_42, %reduce_min3A_43 [1] : vector<512x2048xf32> to vector<512xf32>
    %broadcast_in_dim3A_45 = vector.shape_cast %reduce_min3A_44 : vector<512xf32> to vector<512x1xf32>
    %eq3A = vector.broadcast %broadcast_in_dim3A_45 : vector<512x1xf32> to vector<512x2048xf32>
    %eq3A_46 = arith.cmpf oeq, %convert_element_type3A, %eq3A : vector<512x2048xf32>
    %jit3A_47 = arith.constant 0x7F800000 : f32
    %broadcast_in_dim3A_48 = vector.broadcast %jit3A_47 : f32 to vector<512x2048xf32>
    %select_n3A_49 = arith.select %eq3A_46, %broadcast_in_dim3A_48, %sub3A_36 : vector<512x2048xi1>, vector<512x2048xf32>
    %reduce_min3A_50 = arith.constant dense<0x7F800000> : vector<512xf32>
    %reduce_min3A_51 = vector.multi_reduction <minimumf>, %select_n3A_49, %reduce_min3A_50 [1] : vector<512x2048xf32> to vector<512xf32>
    %broadcast_in_dim3A_52 = vector.shape_cast %reduce_min3A_51 : vector<512xf32> to vector<512x1xf32>
    %le3A_53 = vector.broadcast %broadcast_in_dim3A_52 : vector<512x1xf32> to vector<512x2048xf32>
    %le3A_54 = arith.cmpf ole, %select_n3A_49, %le3A_53 : vector<512x2048xf32>
    %jit3A_55 = arith.constant 2.048000e+03 : f32
    %broadcast_in_dim3A_56 = vector.broadcast %jit3A_55 : f32 to vector<512x2048xf32>
    %select_n3A_57 = arith.select %le3A_54, %convert_element_type3A, %broadcast_in_dim3A_56 : vector<512x2048xi1>, vector<512x2048xf32>
    %reduce_min3A_58 = arith.constant dense<0x7F800000> : vector<512xf32>
    %reduce_min3A_59 = vector.multi_reduction <minimumf>, %select_n3A_57, %reduce_min3A_58 [1] : vector<512x2048xf32> to vector<512xf32>
    %broadcast_in_dim3A_60 = vector.shape_cast %reduce_min3A_59 : vector<512xf32> to vector<512x1xf32>
    %eq3A_61 = vector.broadcast %broadcast_in_dim3A_60 : vector<512x1xf32> to vector<512x2048xf32>
    %eq3A_62 = arith.cmpf oeq, %convert_element_type3A, %eq3A_61 : vector<512x2048xf32>
    %jit3A_63 = arith.constant 0x7F800000 : f32
    %broadcast_in_dim3A_64 = vector.broadcast %jit3A_63 : f32 to vector<512x2048xf32>
    %select_n3A_65 = arith.select %eq3A_62, %broadcast_in_dim3A_64, %select_n3A_49 : vector<512x2048xi1>, vector<512x2048xf32>
    %reduce_min3A_66 = arith.constant dense<0x7F800000> : vector<512xf32>
    %reduce_min3A_67 = vector.multi_reduction <minimumf>, %select_n3A_65, %reduce_min3A_66 [1] : vector<512x2048xf32> to vector<512xf32>
    %broadcast_in_dim3A_68 = vector.shape_cast %reduce_min3A_67 : vector<512xf32> to vector<512x1xf32>
    %le3A_69 = vector.broadcast %broadcast_in_dim3A_68 : vector<512x1xf32> to vector<512x2048xf32>
    %le3A_70 = arith.cmpf ole, %select_n3A_65, %le3A_69 : vector<512x2048xf32>
    %jit3A_71 = arith.constant 2.048000e+03 : f32
    %broadcast_in_dim3A_72 = vector.broadcast %jit3A_71 : f32 to vector<512x2048xf32>
    %select_n3A_73 = arith.select %le3A_70, %convert_element_type3A, %broadcast_in_dim3A_72 : vector<512x2048xi1>, vector<512x2048xf32>
    %reduce_min3A_74 = arith.constant dense<0x7F800000> : vector<512xf32>
    %reduce_min3A_75 = vector.multi_reduction <minimumf>, %select_n3A_73, %reduce_min3A_74 [1] : vector<512x2048xf32> to vector<512xf32>
    %broadcast_in_dim3A_76 = vector.shape_cast %reduce_min3A_75 : vector<512xf32> to vector<512x1xf32>
    %eq3A_77 = vector.broadcast %broadcast_in_dim3A_76 : vector<512x1xf32> to vector<512x2048xf32>
    %eq3A_78 = arith.cmpf oeq, %convert_element_type3A, %eq3A_77 : vector<512x2048xf32>
    %jit3A_79 = arith.constant 0x7F800000 : f32
    %broadcast_in_dim3A_80 = vector.broadcast %jit3A_79 : f32 to vector<512x2048xf32>
    %select_n3A_81 = arith.select %eq3A_78, %broadcast_in_dim3A_80, %select_n3A_65 : vector<512x2048xi1>, vector<512x2048xf32>
    %reduce_min3A_82 = arith.constant dense<0x7F800000> : vector<512xf32>
    %reduce_min3A_83 = vector.multi_reduction <minimumf>, %select_n3A_81, %reduce_min3A_82 [1] : vector<512x2048xf32> to vector<512xf32>
    %broadcast_in_dim3A_84 = vector.shape_cast %reduce_min3A_83 : vector<512xf32> to vector<512x1xf32>
    %le3A_85 = vector.broadcast %broadcast_in_dim3A_84 : vector<512x1xf32> to vector<512x2048xf32>
    %le3A_86 = arith.cmpf ole, %select_n3A_81, %le3A_85 : vector<512x2048xf32>
    %jit3A_87 = arith.constant 2.048000e+03 : f32
    %broadcast_in_dim3A_88 = vector.broadcast %jit3A_87 : f32 to vector<512x2048xf32>
    %select_n3A_89 = arith.select %le3A_86, %convert_element_type3A, %broadcast_in_dim3A_88 : vector<512x2048xi1>, vector<512x2048xf32>
    %reduce_min3A_90 = arith.constant dense<0x7F800000> : vector<512xf32>
    %reduce_min3A_91 = vector.multi_reduction <minimumf>, %select_n3A_89, %reduce_min3A_90 [1] : vector<512x2048xf32> to vector<512xf32>
    %broadcast_in_dim3A_92 = vector.shape_cast %reduce_min3A_91 : vector<512xf32> to vector<512x1xf32>
    %eq3A_93 = vector.broadcast %broadcast_in_dim3A_92 : vector<512x1xf32> to vector<512x2048xf32>
    %eq3A_94 = arith.cmpf oeq, %convert_element_type3A, %eq3A_93 : vector<512x2048xf32>
    %jit3A_95 = arith.constant 0x7F800000 : f32
    %broadcast_in_dim3A_96 = vector.broadcast %jit3A_95 : f32 to vector<512x2048xf32>
    %select_n3A_97 = arith.select %eq3A_94, %broadcast_in_dim3A_96, %select_n3A_81 : vector<512x2048xi1>, vector<512x2048xf32>
    %reduce_min3A_98 = arith.constant dense<0x7F800000> : vector<512xf32>
    %reduce_min3A_99 = vector.multi_reduction <minimumf>, %select_n3A_97, %reduce_min3A_98 [1] : vector<512x2048xf32> to vector<512xf32>
    %broadcast_in_dim3A_100 = vector.shape_cast %reduce_min3A_99 : vector<512xf32> to vector<512x1xf32>
    %le3A_101 = vector.broadcast %broadcast_in_dim3A_100 : vector<512x1xf32> to vector<512x2048xf32>
    %le3A_102 = arith.cmpf ole, %select_n3A_97, %le3A_101 : vector<512x2048xf32>
    %jit3A_103 = arith.constant 2.048000e+03 : f32
    %broadcast_in_dim3A_104 = vector.broadcast %jit3A_103 : f32 to vector<512x2048xf32>
    %select_n3A_105 = arith.select %le3A_102, %convert_element_type3A, %broadcast_in_dim3A_104 : vector<512x2048xi1>, vector<512x2048xf32>
    %reduce_min3A_106 = arith.constant dense<0x7F800000> : vector<512xf32>
    %reduce_min3A_107 = vector.multi_reduction <minimumf>, %select_n3A_105, %reduce_min3A_106 [1] : vector<512x2048xf32> to vector<512xf32>
    %broadcast_in_dim3A_108 = vector.shape_cast %reduce_min3A_107 : vector<512xf32> to vector<512x1xf32>
    %eq3A_109 = vector.broadcast %broadcast_in_dim3A_108 : vector<512x1xf32> to vector<512x2048xf32>
    %eq3A_110 = arith.cmpf oeq, %convert_element_type3A, %eq3A_109 : vector<512x2048xf32>
    %jit3A_111 = arith.constant 0x7F800000 : f32
    %broadcast_in_dim3A_112 = vector.broadcast %jit3A_111 : f32 to vector<512x2048xf32>
    %select_n3A_113 = arith.select %eq3A_110, %broadcast_in_dim3A_112, %select_n3A_97 : vector<512x2048xi1>, vector<512x2048xf32>
    %reduce_min3A_114 = arith.constant dense<0x7F800000> : vector<512xf32>
    %reduce_min3A_115 = vector.multi_reduction <minimumf>, %select_n3A_113, %reduce_min3A_114 [1] : vector<512x2048xf32> to vector<512xf32>
    %broadcast_in_dim3A_116 = vector.shape_cast %reduce_min3A_115 : vector<512xf32> to vector<512x1xf32>
    %le3A_117 = vector.broadcast %broadcast_in_dim3A_116 : vector<512x1xf32> to vector<512x2048xf32>
    %le3A_118 = arith.cmpf ole, %select_n3A_113, %le3A_117 : vector<512x2048xf32>
    %jit3A_119 = arith.constant 2.048000e+03 : f32
    %broadcast_in_dim3A_120 = vector.broadcast %jit3A_119 : f32 to vector<512x2048xf32>
    %select_n3A_121 = arith.select %le3A_118, %convert_element_type3A, %broadcast_in_dim3A_120 : vector<512x2048xi1>, vector<512x2048xf32>
    %reduce_min3A_122 = arith.constant dense<0x7F800000> : vector<512xf32>
    %reduce_min3A_123 = vector.multi_reduction <minimumf>, %select_n3A_121, %reduce_min3A_122 [1] : vector<512x2048xf32> to vector<512xf32>
    %broadcast_in_dim3A_124 = vector.shape_cast %reduce_min3A_123 : vector<512xf32> to vector<512x1xf32>
    %eq3A_125 = vector.broadcast %broadcast_in_dim3A_124 : vector<512x1xf32> to vector<512x2048xf32>
    %eq3A_126 = arith.cmpf oeq, %convert_element_type3A, %eq3A_125 : vector<512x2048xf32>
    %jit3A_127 = arith.constant 0x7F800000 : f32
    %broadcast_in_dim3A_128 = vector.broadcast %jit3A_127 : f32 to vector<512x2048xf32>
    %select_n3A_129 = arith.select %eq3A_126, %broadcast_in_dim3A_128, %select_n3A_113 : vector<512x2048xi1>, vector<512x2048xf32>
    %reduce_min3A_130 = arith.constant dense<0x7F800000> : vector<512xf32>
    %reduce_min3A_131 = vector.multi_reduction <minimumf>, %select_n3A_129, %reduce_min3A_130 [1] : vector<512x2048xf32> to vector<512xf32>
    %broadcast_in_dim3A_132 = vector.shape_cast %reduce_min3A_131 : vector<512xf32> to vector<512x1xf32>
    %le3A_133 = vector.broadcast %broadcast_in_dim3A_132 : vector<512x1xf32> to vector<512x2048xf32>
    %le3A_134 = arith.cmpf ole, %select_n3A_129, %le3A_133 : vector<512x2048xf32>
    %jit3A_135 = arith.constant 2.048000e+03 : f32
    %broadcast_in_dim3A_136 = vector.broadcast %jit3A_135 : f32 to vector<512x2048xf32>
    %select_n3A_137 = arith.select %le3A_134, %convert_element_type3A, %broadcast_in_dim3A_136 : vector<512x2048xi1>, vector<512x2048xf32>
    %reduce_min3A_138 = arith.constant dense<0x7F800000> : vector<512xf32>
    %reduce_min3A_139 = vector.multi_reduction <minimumf>, %select_n3A_137, %reduce_min3A_138 [1] : vector<512x2048xf32> to vector<512xf32>
    %broadcast_in_dim3A_140 = vector.shape_cast %reduce_min3A_139 : vector<512xf32> to vector<512x1xf32>
    %eq3A_141 = vector.broadcast %broadcast_in_dim3A_140 : vector<512x1xf32> to vector<512x2048xf32>
    %eq3A_142 = arith.cmpf oeq, %convert_element_type3A, %eq3A_141 : vector<512x2048xf32>
    %jit3A_143 = arith.constant 0x7F800000 : f32
    %broadcast_in_dim3A_144 = vector.broadcast %jit3A_143 : f32 to vector<512x2048xf32>
    %select_n3A_145 = arith.select %eq3A_142, %broadcast_in_dim3A_144, %select_n3A_129 : vector<512x2048xi1>, vector<512x2048xf32>
    %reduce_min3A_146 = arith.constant dense<0x7F800000> : vector<512xf32>
    %reduce_min3A_147 = vector.multi_reduction <minimumf>, %select_n3A_145, %reduce_min3A_146 [1] : vector<512x2048xf32> to vector<512xf32>
    %broadcast_in_dim3A_148 = vector.shape_cast %reduce_min3A_147 : vector<512xf32> to vector<512x1xf32>
    %le3A_149 = vector.broadcast %broadcast_in_dim3A_148 : vector<512x1xf32> to vector<512x2048xf32>
    %le3A_150 = arith.cmpf ole, %select_n3A_145, %le3A_149 : vector<512x2048xf32>
    %jit3A_151 = arith.constant 2.048000e+03 : f32
    %broadcast_in_dim3A_152 = vector.broadcast %jit3A_151 : f32 to vector<512x2048xf32>
    %select_n3A_153 = arith.select %le3A_150, %convert_element_type3A, %broadcast_in_dim3A_152 : vector<512x2048xi1>, vector<512x2048xf32>
    %reduce_min3A_154 = arith.constant dense<0x7F800000> : vector<512xf32>
    %reduce_min3A_155 = vector.multi_reduction <minimumf>, %select_n3A_153, %reduce_min3A_154 [1] : vector<512x2048xf32> to vector<512xf32>
    %broadcast_in_dim3A_156 = vector.shape_cast %reduce_min3A_155 : vector<512xf32> to vector<512x1xf32>
    %eq3A_157 = vector.broadcast %broadcast_in_dim3A_156 : vector<512x1xf32> to vector<512x2048xf32>
    %eq3A_158 = arith.cmpf oeq, %convert_element_type3A, %eq3A_157 : vector<512x2048xf32>
    %jit3A_159 = arith.constant 0x7F800000 : f32
    %broadcast_in_dim3A_160 = vector.broadcast %jit3A_159 : f32 to vector<512x2048xf32>
    %select_n3A_161 = arith.select %eq3A_158, %broadcast_in_dim3A_160, %select_n3A_145 : vector<512x2048xi1>, vector<512x2048xf32>
    %reduce_min3A_162 = arith.constant dense<0x7F800000> : vector<512xf32>
    %reduce_min3A_163 = vector.multi_reduction <minimumf>, %select_n3A_161, %reduce_min3A_162 [1] : vector<512x2048xf32> to vector<512xf32>
    %broadcast_in_dim3A_164 = vector.shape_cast %reduce_min3A_163 : vector<512xf32> to vector<512x1xf32>
    %le3A_165 = vector.broadcast %broadcast_in_dim3A_164 : vector<512x1xf32> to vector<512x2048xf32>
    %le3A_166 = arith.cmpf ole, %select_n3A_161, %le3A_165 : vector<512x2048xf32>
    %jit3A_167 = arith.constant 2.048000e+03 : f32
    %broadcast_in_dim3A_168 = vector.broadcast %jit3A_167 : f32 to vector<512x2048xf32>
    %select_n3A_169 = arith.select %le3A_166, %convert_element_type3A, %broadcast_in_dim3A_168 : vector<512x2048xi1>, vector<512x2048xf32>
    %reduce_min3A_170 = arith.constant dense<0x7F800000> : vector<512xf32>
    %reduce_min3A_171 = vector.multi_reduction <minimumf>, %select_n3A_169, %reduce_min3A_170 [1] : vector<512x2048xf32> to vector<512xf32>
    %broadcast_in_dim3A_172 = vector.shape_cast %reduce_min3A_171 : vector<512xf32> to vector<512x1xf32>
    %eq3A_173 = vector.broadcast %broadcast_in_dim3A_172 : vector<512x1xf32> to vector<512x2048xf32>
    %eq3A_174 = arith.cmpf oeq, %convert_element_type3A, %eq3A_173 : vector<512x2048xf32>
    %jit3A_175 = arith.constant 0x7F800000 : f32
    %broadcast_in_dim3A_176 = vector.broadcast %jit3A_175 : f32 to vector<512x2048xf32>
    %select_n3A_177 = arith.select %eq3A_174, %broadcast_in_dim3A_176, %select_n3A_161 : vector<512x2048xi1>, vector<512x2048xf32>
    %reduce_min3A_178 = arith.constant dense<0x7F800000> : vector<512xf32>
    %reduce_min3A_179 = vector.multi_reduction <minimumf>, %select_n3A_177, %reduce_min3A_178 [1] : vector<512x2048xf32> to vector<512xf32>
    %broadcast_in_dim3A_180 = vector.shape_cast %reduce_min3A_179 : vector<512xf32> to vector<512x1xf32>
    %le3A_181 = vector.broadcast %broadcast_in_dim3A_180 : vector<512x1xf32> to vector<512x2048xf32>
    %le3A_182 = arith.cmpf ole, %select_n3A_177, %le3A_181 : vector<512x2048xf32>
    %jit3A_183 = arith.constant 2.048000e+03 : f32
    %broadcast_in_dim3A_184 = vector.broadcast %jit3A_183 : f32 to vector<512x2048xf32>
    %select_n3A_185 = arith.select %le3A_182, %convert_element_type3A, %broadcast_in_dim3A_184 : vector<512x2048xi1>, vector<512x2048xf32>
    %reduce_min3A_186 = arith.constant dense<0x7F800000> : vector<512xf32>
    %reduce_min3A_187 = vector.multi_reduction <minimumf>, %select_n3A_185, %reduce_min3A_186 [1] : vector<512x2048xf32> to vector<512xf32>
    %broadcast_in_dim3A_188 = vector.shape_cast %reduce_min3A_187 : vector<512xf32> to vector<512x1xf32>
    %eq3A_189 = vector.broadcast %broadcast_in_dim3A_188 : vector<512x1xf32> to vector<512x2048xf32>
    %eq3A_190 = arith.cmpf oeq, %convert_element_type3A, %eq3A_189 : vector<512x2048xf32>
    %jit3A_191 = arith.constant 0x7F800000 : f32
    %broadcast_in_dim3A_192 = vector.broadcast %jit3A_191 : f32 to vector<512x2048xf32>
    %select_n3A_193 = arith.select %eq3A_190, %broadcast_in_dim3A_192, %select_n3A_177 : vector<512x2048xi1>, vector<512x2048xf32>
    %reduce_min3A_194 = arith.constant dense<0x7F800000> : vector<512xf32>
    %reduce_min3A_195 = vector.multi_reduction <minimumf>, %select_n3A_193, %reduce_min3A_194 [1] : vector<512x2048xf32> to vector<512xf32>
    %broadcast_in_dim3A_196 = vector.shape_cast %reduce_min3A_195 : vector<512xf32> to vector<512x1xf32>
    %le3A_197 = vector.broadcast %broadcast_in_dim3A_196 : vector<512x1xf32> to vector<512x2048xf32>
    %le3A_198 = arith.cmpf ole, %select_n3A_193, %le3A_197 : vector<512x2048xf32>
    %jit3A_199 = arith.constant 2.048000e+03 : f32
    %broadcast_in_dim3A_200 = vector.broadcast %jit3A_199 : f32 to vector<512x2048xf32>
    %select_n3A_201 = arith.select %le3A_198, %convert_element_type3A, %broadcast_in_dim3A_200 : vector<512x2048xi1>, vector<512x2048xf32>
    %reduce_min3A_202 = arith.constant dense<0x7F800000> : vector<512xf32>
    %reduce_min3A_203 = vector.multi_reduction <minimumf>, %select_n3A_201, %reduce_min3A_202 [1] : vector<512x2048xf32> to vector<512xf32>
    %broadcast_in_dim3A_204 = vector.shape_cast %reduce_min3A_203 : vector<512xf32> to vector<512x1xf32>
    %eq3A_205 = vector.broadcast %broadcast_in_dim3A_204 : vector<512x1xf32> to vector<512x2048xf32>
    %eq3A_206 = arith.cmpf oeq, %convert_element_type3A, %eq3A_205 : vector<512x2048xf32>
    %jit3A_207 = arith.constant 0x7F800000 : f32
    %broadcast_in_dim3A_208 = vector.broadcast %jit3A_207 : f32 to vector<512x2048xf32>
    %select_n3A_209 = arith.select %eq3A_206, %broadcast_in_dim3A_208, %select_n3A_193 : vector<512x2048xi1>, vector<512x2048xf32>
    %reduce_min3A_210 = arith.constant dense<0x7F800000> : vector<512xf32>
    %reduce_min3A_211 = vector.multi_reduction <minimumf>, %select_n3A_209, %reduce_min3A_210 [1] : vector<512x2048xf32> to vector<512xf32>
    %broadcast_in_dim3A_212 = vector.shape_cast %reduce_min3A_211 : vector<512xf32> to vector<512x1xf32>
    %le3A_213 = vector.broadcast %broadcast_in_dim3A_212 : vector<512x1xf32> to vector<512x2048xf32>
    %le3A_214 = arith.cmpf ole, %select_n3A_209, %le3A_213 : vector<512x2048xf32>
    %jit3A_215 = arith.constant 2.048000e+03 : f32
    %broadcast_in_dim3A_216 = vector.broadcast %jit3A_215 : f32 to vector<512x2048xf32>
    %select_n3A_217 = arith.select %le3A_214, %convert_element_type3A, %broadcast_in_dim3A_216 : vector<512x2048xi1>, vector<512x2048xf32>
    %reduce_min3A_218 = arith.constant dense<0x7F800000> : vector<512xf32>
    %reduce_min3A_219 = vector.multi_reduction <minimumf>, %select_n3A_217, %reduce_min3A_218 [1] : vector<512x2048xf32> to vector<512xf32>
    %broadcast_in_dim3A_220 = vector.shape_cast %reduce_min3A_219 : vector<512xf32> to vector<512x1xf32>
    %eq3A_221 = vector.broadcast %broadcast_in_dim3A_220 : vector<512x1xf32> to vector<512x2048xf32>
    %eq3A_222 = arith.cmpf oeq, %convert_element_type3A, %eq3A_221 : vector<512x2048xf32>
    %jit3A_223 = arith.constant 0x7F800000 : f32
    %broadcast_in_dim3A_224 = vector.broadcast %jit3A_223 : f32 to vector<512x2048xf32>
    %select_n3A_225 = arith.select %eq3A_222, %broadcast_in_dim3A_224, %select_n3A_209 : vector<512x2048xi1>, vector<512x2048xf32>
    %reduce_min3A_226 = arith.constant dense<0x7F800000> : vector<512xf32>
    %reduce_min3A_227 = vector.multi_reduction <minimumf>, %select_n3A_225, %reduce_min3A_226 [1] : vector<512x2048xf32> to vector<512xf32>
    %broadcast_in_dim3A_228 = vector.shape_cast %reduce_min3A_227 : vector<512xf32> to vector<512x1xf32>
    %le3A_229 = vector.broadcast %broadcast_in_dim3A_228 : vector<512x1xf32> to vector<512x2048xf32>
    %le3A_230 = arith.cmpf ole, %select_n3A_225, %le3A_229 : vector<512x2048xf32>
    %jit3A_231 = arith.constant 2.048000e+03 : f32
    %broadcast_in_dim3A_232 = vector.broadcast %jit3A_231 : f32 to vector<512x2048xf32>
    %select_n3A_233 = arith.select %le3A_230, %convert_element_type3A, %broadcast_in_dim3A_232 : vector<512x2048xi1>, vector<512x2048xf32>
    %reduce_min3A_234 = arith.constant dense<0x7F800000> : vector<512xf32>
    %reduce_min3A_235 = vector.multi_reduction <minimumf>, %select_n3A_233, %reduce_min3A_234 [1] : vector<512x2048xf32> to vector<512xf32>
    %broadcast_in_dim3A_236 = vector.shape_cast %reduce_min3A_235 : vector<512xf32> to vector<512x1xf32>
    %eq3A_237 = vector.broadcast %broadcast_in_dim3A_236 : vector<512x1xf32> to vector<512x2048xf32>
    %eq3A_238 = arith.cmpf oeq, %convert_element_type3A, %eq3A_237 : vector<512x2048xf32>
    %jit3A_239 = arith.constant 0x7F800000 : f32
    %broadcast_in_dim3A_240 = vector.broadcast %jit3A_239 : f32 to vector<512x2048xf32>
    %select_n3A_241 = arith.select %eq3A_238, %broadcast_in_dim3A_240, %select_n3A_225 : vector<512x2048xi1>, vector<512x2048xf32>
    %reduce_min3A_242 = arith.constant dense<0x7F800000> : vector<512xf32>
    %reduce_min3A_243 = vector.multi_reduction <minimumf>, %select_n3A_241, %reduce_min3A_242 [1] : vector<512x2048xf32> to vector<512xf32>
    %broadcast_in_dim3A_244 = vector.shape_cast %reduce_min3A_243 : vector<512xf32> to vector<512x1xf32>
    %le3A_245 = vector.broadcast %broadcast_in_dim3A_244 : vector<512x1xf32> to vector<512x2048xf32>
    %le3A_246 = arith.cmpf ole, %select_n3A_241, %le3A_245 : vector<512x2048xf32>
    %jit3A_247 = arith.constant 2.048000e+03 : f32
    %broadcast_in_dim3A_248 = vector.broadcast %jit3A_247 : f32 to vector<512x2048xf32>
    %select_n3A_249 = arith.select %le3A_246, %convert_element_type3A, %broadcast_in_dim3A_248 : vector<512x2048xi1>, vector<512x2048xf32>
    %reduce_min3A_250 = arith.constant dense<0x7F800000> : vector<512xf32>
    %reduce_min3A_251 = vector.multi_reduction <minimumf>, %select_n3A_249, %reduce_min3A_250 [1] : vector<512x2048xf32> to vector<512xf32>
    %broadcast_in_dim3A_252 = vector.shape_cast %reduce_min3A_251 : vector<512xf32> to vector<512x1xf32>
    %eq3A_253 = vector.broadcast %broadcast_in_dim3A_252 : vector<512x1xf32> to vector<512x2048xf32>
    %eq3A_254 = arith.cmpf oeq, %convert_element_type3A, %eq3A_253 : vector<512x2048xf32>
    %jit3A_255 = arith.constant 0x7F800000 : f32
    %broadcast_in_dim3A_256 = vector.broadcast %jit3A_255 : f32 to vector<512x2048xf32>
    %select_n3A_257 = arith.select %eq3A_254, %broadcast_in_dim3A_256, %select_n3A_241 : vector<512x2048xi1>, vector<512x2048xf32>
    %reduce_min3A_258 = arith.constant dense<0x7F800000> : vector<512xf32>
    %reduce_min3A_259 = vector.multi_reduction <minimumf>, %select_n3A_257, %reduce_min3A_258 [1] : vector<512x2048xf32> to vector<512xf32>
    %broadcast_in_dim3A_260 = vector.shape_cast %reduce_min3A_259 : vector<512xf32> to vector<512x1xf32>
    %le3A_261 = vector.broadcast %broadcast_in_dim3A_260 : vector<512x1xf32> to vector<512x2048xf32>
    %le3A_262 = arith.cmpf ole, %select_n3A_257, %le3A_261 : vector<512x2048xf32>
    %jit3A_263 = arith.constant 2.048000e+03 : f32
    %broadcast_in_dim3A_264 = vector.broadcast %jit3A_263 : f32 to vector<512x2048xf32>
    %select_n3A_265 = arith.select %le3A_262, %convert_element_type3A, %broadcast_in_dim3A_264 : vector<512x2048xi1>, vector<512x2048xf32>
    %reduce_min3A_266 = arith.constant dense<0x7F800000> : vector<512xf32>
    %reduce_min3A_267 = vector.multi_reduction <minimumf>, %select_n3A_265, %reduce_min3A_266 [1] : vector<512x2048xf32> to vector<512xf32>
    %broadcast_in_dim3A_268 = vector.shape_cast %reduce_min3A_267 : vector<512xf32> to vector<512x1xf32>
    %eq3A_269 = vector.broadcast %broadcast_in_dim3A_268 : vector<512x1xf32> to vector<512x2048xf32>
    %eq3A_270 = arith.cmpf oeq, %convert_element_type3A, %eq3A_269 : vector<512x2048xf32>
    %jit3A_271 = arith.constant 0x7F800000 : f32
    %broadcast_in_dim3A_272 = vector.broadcast %jit3A_271 : f32 to vector<512x2048xf32>
    %select_n3A_273 = arith.select %eq3A_270, %broadcast_in_dim3A_272, %select_n3A_257 : vector<512x2048xi1>, vector<512x2048xf32>
    %reduce_min3A_274 = arith.constant dense<0x7F800000> : vector<512xf32>
    %reduce_min3A_275 = vector.multi_reduction <minimumf>, %select_n3A_273, %reduce_min3A_274 [1] : vector<512x2048xf32> to vector<512xf32>
    %broadcast_in_dim3A_276 = vector.shape_cast %reduce_min3A_275 : vector<512xf32> to vector<512x1xf32>
    %le3A_277 = vector.broadcast %broadcast_in_dim3A_276 : vector<512x1xf32> to vector<512x2048xf32>
    %le3A_278 = arith.cmpf ole, %select_n3A_273, %le3A_277 : vector<512x2048xf32>
    %jit3A_279 = arith.constant 2.048000e+03 : f32
    %broadcast_in_dim3A_280 = vector.broadcast %jit3A_279 : f32 to vector<512x2048xf32>
    %select_n3A_281 = arith.select %le3A_278, %convert_element_type3A, %broadcast_in_dim3A_280 : vector<512x2048xi1>, vector<512x2048xf32>
    %reduce_min3A_282 = arith.constant dense<0x7F800000> : vector<512xf32>
    %reduce_min3A_283 = vector.multi_reduction <minimumf>, %select_n3A_281, %reduce_min3A_282 [1] : vector<512x2048xf32> to vector<512xf32>
    %broadcast_in_dim3A_284 = vector.shape_cast %reduce_min3A_283 : vector<512xf32> to vector<512x1xf32>
    %concatenate3A = tpu.concatenate %broadcast_in_dim3A_45, %broadcast_in_dim3A_60, %broadcast_in_dim3A_76, %broadcast_in_dim3A_92, %broadcast_in_dim3A_108, %broadcast_in_dim3A_124, %broadcast_in_dim3A_140, %broadcast_in_dim3A_156, %broadcast_in_dim3A_172, %broadcast_in_dim3A_188, %broadcast_in_dim3A_204, %broadcast_in_dim3A_220, %broadcast_in_dim3A_236, %broadcast_in_dim3A_252, %broadcast_in_dim3A_268, %broadcast_in_dim3A_284 in 1 : vector<512x1xf32>, vector<512x1xf32>, vector<512x1xf32>, vector<512x1xf32>, vector<512x1xf32>, vector<512x1xf32>, vector<512x1xf32>, vector<512x1xf32>, vector<512x1xf32>, vector<512x1xf32>, vector<512x1xf32>, vector<512x1xf32>, vector<512x1xf32>, vector<512x1xf32>, vector<512x1xf32>, vector<512x1xf32> -> vector<512x16xf32>
    %convert_element_type3A_285 = arith.fptosi %concatenate3A : vector<512x16xf32> to vector<512x16xi32>
    %mul3A_286 = arith.constant 2048 : i32
    %mul3A_287 = arith.muli %select_n3A, %mul3A_286 : i32
    %add3A_288 = vector.broadcast %mul3A_287 : i32 to vector<512x16xi32>
    %add3A_289 = arith.addi %convert_element_type3A_285, %add3A_288 : vector<512x16xi32>
    %swap3A = arith.constant 0 : index
    %swap3A_290 = arith.constant 0 : index
    %swap3A_291 = arith.constant 0 : index
    %swap3A_292 = vector.load %arg3[%swap3A, %swap3A_290, %swap3A_291] : memref<1x512x16xi32, #tpu.memory_space<vmem>>, vector<1x512x16xi32>
    %swap3A_293 = vector.shape_cast %swap3A_292 : vector<1x512x16xi32> to vector<512x16xi32>
    %swap3A_294 = vector.shape_cast %add3A_289 : vector<512x16xi32> to vector<1x512x16xi32>
    tpu.vector_store %arg3[%swap3A, %swap3A_290, %swap3A_291], %swap3A_294 {strides = array<i32>} : memref<1x512x16xi32, #tpu.memory_space<vmem>>, vector<1x512x16xi32>,
    return
  }
  func.func @transform_0(%arg0: i32) -> (i32, i32, i32) {
    %jit3A = arith.constant 4 : i32
    %div3A = arith.divsi %arg0, %jit3A : i32
    %sign3A = arith.constant 0 : i32
    %sign3A_0 = arith.cmpi sgt, %arg0, %sign3A : i32
    %sign3A_1 = arith.extui %sign3A_0 : i1 to i32
    %sign3A_2 = arith.constant 0 : i32
    %sign3A_3 = arith.cmpi slt, %arg0, %sign3A_2 : i32
    %sign3A_4 = arith.extui %sign3A_3 : i1 to i32
    %sign3A_5 = arith.subi %sign3A_1, %sign3A_4 : i32
    %sign3A_6 = arith.constant 0 : i32
    %sign3A_7 = arith.cmpi sgt, %jit3A, %sign3A_6 : i32
    %sign3A_8 = arith.extui %sign3A_7 : i1 to i32
    %sign3A_9 = arith.constant 0 : i32
    %sign3A_10 = arith.cmpi slt, %jit3A, %sign3A_9 : i32
    %sign3A_11 = arith.extui %sign3A_10 : i1 to i32
    %sign3A_12 = arith.subi %sign3A_8, %sign3A_11 : i32
    %ne3A = arith.cmpi ne, %sign3A_5, %sign3A_12 : i32
    %rem3A = arith.remsi %arg0, %jit3A : i32
    %ne3A_13 = arith.constant 0 : i32
    %ne3A_14 = arith.cmpi ne, %rem3A, %ne3A_13 : i32
    %and3A = arith.andi %ne3A, %ne3A_14 : i1
    %sub3A = arith.constant 1 : i32
    %sub3A_15 = arith.subi %div3A, %sub3A : i32
    %select_n3A = arith.select %and3A, %sub3A_15, %div3A : i32
    %jit3A_16 = arith.constant 4 : i32
    %eq3A = arith.constant 0 : i32
    %eq3A_17 = arith.cmpi eq, %jit3A_16, %eq3A : i32
    %jit3A_18 = arith.constant 1 : i32
    %select_n3A_19 = arith.select %eq3A_17, %jit3A_18, %jit3A_16 : i32
    %rem3A_20 = arith.remsi %arg0, %select_n3A_19 : i32
    %ne3A_21 = arith.constant 0 : i32
    %ne3A_22 = arith.cmpi ne, %rem3A_20, %ne3A_21 : i32
    %lt3A = arith.constant 0 : i32
    %lt3A_23 = arith.cmpi slt, %rem3A_20, %lt3A : i32
    %lt3A_24 = arith.constant 0 : i32
    %lt3A_25 = arith.cmpi slt, %select_n3A_19, %lt3A_24 : i32
    %ne3A_26 = arith.xori %lt3A_23, %lt3A_25 : i1
    %and3A_27 = arith.andi %ne3A_26, %ne3A_22 : i1
    %add3A = arith.addi %rem3A_20, %select_n3A_19 : i32
    %select_n3A_28 = arith.select %and3A_27, %add3A, %rem3A_20 : i32
    %c0_i32 = arith.constant 0 : i32
    %c0_i32_29 = arith.constant 0 : i32
    return %select_n3A, %select_n3A_28, %c0_i32 : i32, i32, i32
  }
  func.func @transform_1(%arg0: i32) -> (i32, i32, i32) {
    %jit3A = arith.constant 4 : i32
    %div3A = arith.divsi %arg0, %jit3A : i32
    %sign3A = arith.constant 0 : i32
    %sign3A_0 = arith.cmpi sgt, %arg0, %sign3A : i32
    %sign3A_1 = arith.extui %sign3A_0 : i1 to i32
    %sign3A_2 = arith.constant 0 : i32
    %sign3A_3 = arith.cmpi slt, %arg0, %sign3A_2 : i32
    %sign3A_4 = arith.extui %sign3A_3 : i1 to i32
    %sign3A_5 = arith.subi %sign3A_1, %sign3A_4 : i32
    %sign3A_6 = arith.constant 0 : i32
    %sign3A_7 = arith.cmpi sgt, %jit3A, %sign3A_6 : i32
    %sign3A_8 = arith.extui %sign3A_7 : i1 to i32
    %sign3A_9 = arith.constant 0 : i32
    %sign3A_10 = arith.cmpi slt, %jit3A, %sign3A_9 : i32
    %sign3A_11 = arith.extui %sign3A_10 : i1 to i32
    %sign3A_12 = arith.subi %sign3A_8, %sign3A_11 : i32
    %ne3A = arith.cmpi ne, %sign3A_5, %sign3A_12 : i32
    %rem3A = arith.remsi %arg0, %jit3A : i32
    %ne3A_13 = arith.constant 0 : i32
    %ne3A_14 = arith.cmpi ne, %rem3A, %ne3A_13 : i32
    %and3A = arith.andi %ne3A, %ne3A_14 : i1
    %sub3A = arith.constant 1 : i32
    %sub3A_15 = arith.subi %div3A, %sub3A : i32
    %select_n3A = arith.select %and3A, %sub3A_15, %div3A : i32
    %c0_i32 = arith.constant 0 : i32
    %c0_i32_16 = arith.constant 0 : i32
    %c0_i32_17 = arith.constant 0 : i32
    return %select_n3A, %c0_i32, %c0_i32_16 : i32, i32, i32
  }
  func.func @transform_2(%arg0: i32) -> (i32, i32, i32) {
    %jit3A = arith.constant 4 : i32
    %div3A = arith.divsi %arg0, %jit3A : i32
    %sign3A = arith.constant 0 : i32
    %sign3A_0 = arith.cmpi sgt, %arg0, %sign3A : i32
    %sign3A_1 = arith.extui %sign3A_0 : i1 to i32
    %sign3A_2 = arith.constant 0 : i32
    %sign3A_3 = arith.cmpi slt, %arg0, %sign3A_2 : i32
    %sign3A_4 = arith.extui %sign3A_3 : i1 to i32
    %sign3A_5 = arith.subi %sign3A_1, %sign3A_4 : i32
    %sign3A_6 = arith.constant 0 : i32
    %sign3A_7 = arith.cmpi sgt, %jit3A, %sign3A_6 : i32
    %sign3A_8 = arith.extui %sign3A_7 : i1 to i32
    %sign3A_9 = arith.constant 0 : i32
    %sign3A_10 = arith.cmpi slt, %jit3A, %sign3A_9 : i32
    %sign3A_11 = arith.extui %sign3A_10 : i1 to i32
    %sign3A_12 = arith.subi %sign3A_8, %sign3A_11 : i32
    %ne3A = arith.cmpi ne, %sign3A_5, %sign3A_12 : i32
    %rem3A = arith.remsi %arg0, %jit3A : i32
    %ne3A_13 = arith.constant 0 : i32
    %ne3A_14 = arith.cmpi ne, %rem3A, %ne3A_13 : i32
    %and3A = arith.andi %ne3A, %ne3A_14 : i1
    %sub3A = arith.constant 1 : i32
    %sub3A_15 = arith.subi %div3A, %sub3A : i32
    %select_n3A = arith.select %and3A, %sub3A_15, %div3A : i32
    %jit3A_16 = arith.constant 4 : i32
    %eq3A = arith.constant 0 : i32
    %eq3A_17 = arith.cmpi eq, %jit3A_16, %eq3A : i32
    %jit3A_18 = arith.constant 1 : i32
    %select_n3A_19 = arith.select %eq3A_17, %jit3A_18, %jit3A_16 : i32
    %rem3A_20 = arith.remsi %arg0, %select_n3A_19 : i32
    %ne3A_21 = arith.constant 0 : i32
    %ne3A_22 = arith.cmpi ne, %rem3A_20, %ne3A_21 : i32
    %lt3A = arith.constant 0 : i32
    %lt3A_23 = arith.cmpi slt, %rem3A_20, %lt3A : i32
    %lt3A_24 = arith.constant 0 : i32
    %lt3A_25 = arith.cmpi slt, %select_n3A_19, %lt3A_24 : i32
    %ne3A_26 = arith.xori %lt3A_23, %lt3A_25 : i1
    %and3A_27 = arith.andi %ne3A_26, %ne3A_22 : i1
    %add3A = arith.addi %rem3A_20, %select_n3A_19 : i32
    %select_n3A_28 = arith.select %and3A_27, %add3A, %rem3A_20 : i32
    %c0_i32 = arith.constant 0 : i32
    %c0_i32_29 = arith.constant 0 : i32
    return %select_n3A, %select_n3A_28, %c0_i32 : i32, i32, i32
  }
}

</mosaic_0001>

<sc_bundles>
// kernel: kernel.4.cloned.1.call-start
scs
__scs_entry_jumppad:
0x0: {  	(pc) =	sbr.rel $0x88, $3  }
0x1: {  	(tag) =	ssettag $0x0;
	lr =	simm.s32 $0x1  }
0x2: {  	[smem:$0x3FA0] =	sst lr;
	_ =	strace $0xD0000000  }
0x3: {  	_ = 	snop  }
0x4: {  	_ = 	snop  }
0x5: {  	_ = 	snop  }
0x6: {  	_ = 	snop  }
0x7: {  	_ = 	snop  }
__scs_overlays_trampoline_lowered:
0x8: {  	[smem:$0x3FAF] =	sst s0  }
0x9: {  	[smem:$0x3FB0] =	sst s1  }
0xa: {  	[smem:$0x3FB1] =	sst s2  }
0xb: {  	[smem:$0x3FB2] =	sst s3  }
0xc: {  	[smem:$0x3FB3] =	sst s4  }
0xd: {  	[smem:$0x3FB4] =	sst s5  }
0xe: {  	[smem:$0x3FB5] =	sst s6  }
0xf: {  	[smem:$0x3FB6] =	sst s7  }
0x10: {  	[smem:$0x3FB7] =	sst s8  }
0x11: {  	[smem:$0x3FB8] =	sst s9;
	s0 =	simm.s32 @!p0 $0x0  }
0x12: {  	s1 =	sld [smem:$0x3F9E];
	s0 =	simm.s32 @p0 $0x1  }
0x13: {  	[smem:$0x3FB9] =	sst s0;
	s0 =	simm.s32 @!p1 $0x0  }
0x14: {  	s2 =	sld [smem:$0x3F9D];
	s0 =	simm.s32 @p1 $0x1  }
0x15: {  	[smem:$0x3FBA] =	sst s0;
	s0 =	simm.s32 @!p2 $0x0  }
0x16: {  	s3 =	sld [smem:$0x3FDB];
	s0 =	simm.s32 @p2 $0x1  }
0x17: {  	s4 =	simm.s32 $0x1BF5;
	[smem:$0x3FBC] =	sst s0  }
0x18: {  	s0 =	sld [smem:$0x3F9F];
	_ =	swait.ge [sflag:s4], $0x0  }
0x19: {  	s7 =	sld [smem:$0x3FA0]  }
0x1a: {  	s8 =	sadd.s32 $0xFFFFE003, lr  }
0x1b: {  	s9 =	sadd.s32 $0xFFFFFEF7, lr;
	s5 =	simm.s32 $0xFFFFFFFF;
	p2 =	slt.u32 s8, $0xFFFFF086  }
0x1c: {  	p1 =	slt.u32 s9, $0xF7A;
	s5 =	simm.s32 @!p2 $0x0  }
0x1d: {  	s5 =	simm.s32 @p1 $0x1;
	p0 =	seq.s32 s7, s2  }
0x1e: {  	s7 =	smul.u32 @!p0 $0xF7A, s2;
	p2 =	seq.s32 @!p0 s5, $0x0  }
0x1f: {  	s9 =	smul.u32 $0xF7A, s1;
	s8 =	simm.s32 @!p0 $0x1BF5;
	p2 =	por !p2, p0  }
0x20: {  	[sflag:s8] =	ssyncset.s32 @!p0 $0xFFFFF086;
	s6 =	sadd.s32 @!p0 s3, s7;
	s7 =	simm.s32 @!p0 $0x108  }
0x21: {  	s3 =	sadd.s32 s3, s9;
	s6 =	sadd.s32 @!p0 $0x88, s6;
	s7 =	simm.s32 @p2 $0x1082  }
0x22: {  	[simem:s7], [sflag:s8] =	dma.local @!p0 [hbm:s6], $0xF7A  }
0x23: {  	s9 =	sor.u32 $0xD0000000, s2;
	s6 =	simm.s32 $0x108;
	_ =	swait.ge @!p0 [sflag:s8], $0x0  }
0x24: {  	s3 =	sadd.s32 $0x88, s3;
	s6 =	simm.s32 @!p1 $0x1082;
	[sflag:s4] =	ssyncset.s32 $0xFFFFF086  }
0x25: {  	[simem:s6], [sflag:s4] =	dma.local [hbm:s3], $0xF7A  }
0x26: {  	[smem:$0x3FA0] =	sst s1;
	(tag) =	ssettag s2;
	_ =	strace s9  }
0x27: {  	s1 =	sld [smem:$0x3FB0]  }
0x28: {  	s2 =	sld [smem:$0x3FB1]  }
0x29: {  	s4 =	sld [smem:$0x3FB3]  }
0x2a: {  	p0 =	seq.s32 s5, $0x0;
	s5 =	sld [smem:$0x3FB4]  }
0x2b: {  	s6 =	sld [smem:$0x3FB5]  }
0x2c: {  	s7 =	sld [smem:$0x3FB6]  }
0x2d: {  	s3 =	simm.s32 $0x108;
	s8 =	sld [smem:$0x3FB7]  }
0x2e: {  	s3 =	simm.s32 @!p0 $0x1082;
	s9 =	sld [smem:$0x3FB8]  }
0x2f: {  	lr =	sadd.s32 s0, s3;
	s0 =	sld [smem:$0x3FAF]  }
0x30: {  	s3 =	sld [smem:$0x3FB2]  }
0x31: {  	[smem:$0x3FBB] =	sst s10  }
0x32: {  	s10 =	sld [smem:$0x3FB9];
	_ =	sdelay $0x3  }
0x33: {  	p0 =	seq.s32 s10, $0x1;
	s10 =	sld [smem:$0x3FBB];
	_ =	sdelay $0x3  }
0x34: {  	[smem:$0x3FBB] =	sst s10  }
0x35: {  	s10 =	sld [smem:$0x3FBA];
	_ =	sdelay $0x3  }
0x36: {  	p1 =	seq.s32 s10, $0x1;
	s10 =	sld [smem:$0x3FBB];
	_ =	sdelay $0x3  }
0x37: {  	[smem:$0x3FBB] =	sst s10  }
0x38: {  	s10 =	sld [smem:$0x3FBC]  }
0x39: {  	_ = 	snop;
	(pc) =	sbr.ind lr, $3  }
0x3a: {  	_ = 	snop  }
0x3b: {  	_ = 	snop  }
0x3c: {  	p2 =	seq.s32 s10, $0x1;
	s10 =	sld [smem:$0x3FBB]  }
0x3d: {  	_ =	shalt  }
0x3e: {  	_ =	shalt  }
0x3f: {  	_ =	shalt  }
0x40: {  	_ =	shalt  }
0x41: {  	_ =	shalt  }
0x42: {  	_ =	shalt  }
0x43: {  	_ =	shalt  }
0x44: {  	_ =	shalt  }
0x45: {  	_ =	shalt  }
0x46: {  	_ =	shalt  }
0x47: {  	_ =	shalt  }
0x48: {  	_ =	shalt  }
0x49: {  	_ =	shalt  }
0x4a: {  	_ =	shalt  }
0x4b: {  	_ =	shalt  }
0x4c: {  	_ =	shalt  }
0x4d: {  	_ =	shalt  }
0x4e: {  	_ =	shalt  }
0x4f: {  	_ =	shalt  }
0x50: {  	_ =	shalt  }
0x51: {  	_ =	shalt  }
0x52: {  	_ =	shalt  }
0x53: {  	_ =	shalt  }
0x54: {  	_ =	shalt  }
0x55: {  	_ =	shalt  }
0x56: {  	_ =	shalt  }
0x57: {  	_ =	shalt  }
0x58: {  	_ =	shalt  }
0x59: {  	_ =	shalt  }
0x5a: {  	_ =	shalt  }
0x5b: {  	_ =	shalt  }
0x5c: {  	_ =	shalt  }
0x5d: {  	_ =	shalt  }
0x5e: {  	_ =	shalt  }
0x5f: {  	_ =	shalt  }
0x60: {  	_ =	shalt  }
0x61: {  	_ =	shalt  }
0x62: {  	_ =	shalt  }
0x63: {  	_ =	shalt  }
0x64: {  	_ =	shalt  }
0x65: {  	_ =	shalt  }
0x66: {  	_ =	shalt  }
0x67: {  	_ =	shalt  }
0x68: {  	_ =	shalt  }
0x69: {  	_ =	shalt  }
0x6a: {  	_ =	shalt  }
0x6b: {  	_ =	shalt  }
0x6c: {  	_ =	shalt  }
0x6d: {  	_ =	shalt  }
0x6e: {  	_ =	shalt  }
0x6f: {  	_ =	shalt  }
0x70: {  	_ =	shalt  }
0x71: {  	_ =	shalt  }
0x72: {  	_ =	shalt  }
0x73: {  	_ =	shalt  }
0x74: {  	_ =	shalt  }
0x75: {  	_ =	shalt  }
0x76: {  	_ =	shalt  }
0x77: {  	_ =	shalt  }
0x78: {  	_ =	shalt  }
0x79: {  	_ =	shalt  }
0x7a: {  	_ =	shalt  }
0x7b: {  	_ =	shalt  }
0x7c: {  	_ =	shalt  }
0x7d: {  	_ =	shalt  }
0x7e: {  	_ =	shalt  }
0x7f: {  	_ =	shalt  }
0x80: {  	_ =	shalt  }
0x81: {  	_ =	shalt  }
0x82: {  	_ =	shalt  }
0x83: {  	_ =	shalt  }
0x84: {  	_ =	shalt  }
0x85: {  	_ =	shalt  }
0x86: {  	_ =	shalt  }
0x87: {  	_ =	shalt  }
.Lfunc_end0:
.L_simem_size_0:
called_computation_lowered:
.L_overlay_start_0:
0x88: {  	s2 =	sld [smem:$0x3FD9]  }
0x89: {  	s3 =	sld [smem:$0x3FFE];
	_ =	sdelay $0x1  }
0x8a: {  	s1 =	srdreg.scid  }
0x8b: {  	s0 =	sand.u32 $0x1, s1  }
0x8c: {  	s17 =	sshll.u32 s0, $0xA;
	s2 =	sadd.s32 s3, s2  }
0x8d: {  	s2 =	sadd.s32 s2, s17  }
0x8e: {  	[smem:$0x3FC7] =	sst s2  }
0x8f: {  	_ = 	snop  }
0x90: {  	s2 =	sld [smem:$0x3FD0];
	(tm) =	ssettm $0x1  }
0x91: {  	s18 =	sld [smem:$0x3FFB];
	_ =	sdelay $0x3  }
0x92: {  	_ =	strace s18  }
0x93: {  	s3 =	sld [smem:$0x3FFC];
	_ =	sdelay $0x3  }
0x94: {  	_ =	strace s3  }
0x95: {  	s3 =	sld [smem:$0x3FFD];
	_ =	sdelay $0x3  }
0x96: {  	_ =	strace s3  }
0x97: {  	_ =	strace $0x8FFFFFFF  }
0x98: {  	s19 =	sld [smem:$0x3FDB];
	_ =	sdelay $0x1  }
0x99: {  	s4 =	simm.s32 $_scs_section_size  }
0x9a: {  	s5 =	simm.s32 $_size__tile_overlayer_lowered;
	s6 =	simm.s32 $_tile_overlayer_lowered  }
0x9b: {  	s22 =	simm.s32 $0x1BFF;
	s21 =	sshll.u32 s6, $0x1;
	s3 =	sadd.s32 s4, s19  }
0x9c: {  	s7 =	simm.s32 $0x0;
	s20 =	sshll.u32 s5, $0x1;
	s5 =	sadd.s32 s21, s3  }
0x9d: {  	[timem:s7], [sflag:s22] =	dma.local [hbm:s5], s20  }
0x9e: {  	_ =	swait.ge [sflag:s22], s20  }
0x9f: {  	s4 =	ssub.s32 $0x0, s20;
	[sflag:s22] =	ssyncset.done $0x0  }
0xa0: {  	[sflag:s22] =	ssyncadd.s32 s4;
	_ =	sdelay $0x1  }
0xa1: {  	s23 =	simm.s32 $0x1B8B  }
0xa2: {  	_ =	swait.ge [sflag:s23], $0x1  }
0xa3: {  	[sflag:s23] =	ssyncset.done $0x0  }
0xa4: {  	s25 =	simm.s32 $0x1B8E;
	s24 =	sld [smem:$0x3FFE];
	[sflag:s23] =	ssyncadd.s32 $0xFFFFFFFF  }
0xa5: {  	s26 =	simm.s32 $execute0_lowered;
	[smem:$0x3FD2] =	sst s25  }
0xa6: {  	s5 =	sshll.u32 s26, $0x1;
	_ =	strace $0x80000046;
	[dreg:$0x1] =	wrdreg $0xFFFFFFFF  }
0xa7: {  	s28 =	simm.s32 $_size_execute0_lowered;
	s3 =	sadd.s32 s3, s5;
	[dreg:$0x0] =	wrdreg $0x0  }
0xa8: {  	s5 =	sshll.u32 s28, $0x1;
	[dreg:$0x2] =	wrdreg s3  }
0xa9: {  	[dreg:$0x3] =	wrdreg s5  }
0xaa: {  	[dreg:$0x4] =	wrdreg $0xC0  }
0xab: {  	_ =	task [dreg:s7], $0x5FFFF  }
0xac: {  	[dreg:$0x1] =	wrdreg $0xFFFFFFFF  }
0xad: {  	[dreg:$0x0] =	wrdreg $0x60  }
0xae: {  	[dreg:$0x2] =	wrdreg s24  }
0xaf: {  	[dreg:$0x3] =	wrdreg s2  }
0xb0: {  	[dreg:$0x4] =	wrdreg $0x9  }
0xb1: {  	_ =	task.clear_ibuf [dreg:s7], $0x5FFFF;
	_ =	strace $0x90000046  }
0xb2: {  	s29 =	simm.s32 $0x9;
	_ =	strace $0x80000048  }
0xb3: {  	_ =	swait.ge [sflag:s29], $0x1  }
0xb4: {  	[sflag:s29] =	ssyncadd.s32 $0xFFFFFFFF  }
0xb5: {  	_ =	strace $0x90000048  }
0xb6: {  	_ =	sfence  }
0xb7: {  	s30 =	sld [smem:$0x0];
	_ =	sdelay $0x2  }
0xb8: {  	s31 =	sshll.u32 s1, $0xD;
	s1 =	sshrl.u32 s1, $0x2  }
0xb9: {  	s3 =	sand.u32 $0x4000, s31;
	s1 =	sadd.s32 s1, s30  }
0xba: {  	s0 =	sor.u32 s3, s0;
	s1 =	sshll.u32 s1, $0x11  }
0xbb: {  	s0 =	sor.u32 s1, s0  }
0xbc: {  	s0 =	sadd.s32 $0x8F2B, s0  }
0xbd: {  	[sflag:s0] =	ssyncadd.remote.s32 $0x1  }
0xbe: {  	_ =	sfence.sel $0xFFFF  }
0xbf: {  	[dreg:$0x0] =	wrdreg $0xFFFFFFFF;
	(pc) =	sbr.abs _section_cstart, $3  }
0xc0: {  	[dreg:$0x1] =	wrdreg $0xFFFFFFFF  }
0xc1: {  	_ =	task.clear_ibuf [dreg:s7], $0x2FFFF;
	_ =	strace $0x9FFFFFFF  }
0xc2: {  	(tm) =	ssettm $0x7FFFFFFF  }
0xc3: {  	_ =	shalt  }
tec
execute0_lowered:
.L_overlay_start_1:
0x0: {  	(tag) =	ssettag $0x1  }
0x1: {  	v0 =	vimm.s32 $0xFEDCBA98;
	v1 =	vimm.s32 $0x76543210;
	v2 =	vimm.s32 $0xBA98FEDC  }
0x2: {  	v3 =	vimm.s32 $0x32107654;
	v4 =	vimm.s32 $0xDCFE98BA;
	v5 =	vimm.s32 $0x54761032  }
0x3: {  	v6 =	vimm.s32 $0xEFCDAB89;
	v7 =	vimm.s32 $0x67452301;
	vm0 =	vcmask $0x1B14  }
0x4: {  	vm1 =	vcmask $0xB04;
	vm3 =	vcmask $0x704;
	vm2 =	vcmask $0x3B34  }
0x5: {  	vm4 =	vcmask $0x1B18;
	vm7 =	vcmask $0x2724;
	vm5 =	vcmask $0x1708  }
0x6: {  	vm9 =	vcmask $0xF08;
	vm11 =	vcmask $0x2B28;
	v0 =	vunpack.c.l.s4.s8 v0  }
0x7: {  	v1 =	vunpack.c.l.s4.s8 v1;
	v2 =	vunpack.c.l.s4.s8 v2;
	v3 =	vunpack.c.l.s4.s8 v3  }
0x8: {  	v4 =	vunpack.c.l.s4.s8 v4;
	v5 =	vunpack.c.l.s4.s8 v5;
	v6 =	vunpack.c.l.s4.s8 v6  }
0x9: {  	v7 =	vunpack.c.l.s4.s8 v7;
	vm0 =	vmor vm1, vm0;
	vm1 =	vcmask $0x2B24  }
0xa: {  	vm0 =	vmor vm0, vm1;
	vm1 =	vcmask $0x130C;
	v0 =	vunpack.c.0.s8.s32 v0  }
0xb: {  	v1 =	vunpack.c.0.s8.s32 v1;
	v2 =	vunpack.c.0.s8.s32 v2;
	v3 =	vunpack.c.0.s8.s32 v3  }
0xc: {  	v4 =	vunpack.c.0.s8.s32 v4;
	v5 =	vunpack.c.0.s8.s32 v5;
	v6 =	vunpack.c.0.s8.s32 v6  }
0xd: {  	v7 =	vunpack.c.0.s8.s32 v7;
	vm1 =	vmor vm3, vm1;
	vm0 =	vmor vm0, vm2  }
0xe: {  	vm2 =	vcmask $0x3728;
	vm1 =	vmor vm1, vm4;
	v0 =	vand.u32 $0xF, v0  }
0xf: {  	vm4 =	vcmask $0x332C;
	vm1 =	vmor vm1, vm7;
	v0 =	vcombine.low v0, v1  }
0x10: {  	v1 =	vcombine.low v3, v2;
	v2 =	vimm.f32 $+Inf;
	v3 =	vcombine.low v5, v4  }
0x11: {  	v4 =	vcombine.low v7, v6;
	v5 =	vlaneseq.u32;
	vm6 =	vmor vm1, vm4  }
0x12: {  	vm4 =	vcmask $0x3B38;
	vm1 =	vmor vm5, vm2;
	vm5 =	vcmask $0x2718  }
0x13: {  	vm2 =	vmor vm6, vm4;
	vm6 =	vcmask $0xF0C;
	vm5 =	vmor vm9, vm5  }
0x14: {  	s6 =	rddreg [dreg:$0x0];
	v9 =	vmul.u32 $0xFFFFFFFF, v5;
	v6 =	vand.u32 $0xF, v4;
	v7 =	vand.u32 $0xF, v3  }
0x15: {  	s8 =	rddreg [dreg:$0x1];
	v8 =	vand.u32 $0xF, v1;
	vm3 =	vmor vm3, vm6;
	vm6 =	vcmask $0x1714  }
0x16: {  	s0 =	rddreg [dreg:$0x2];
	vm8 =	vmor vm3, vm6;
	vm3 =	vcmask $0x231C;
	vm6 =	vcmask $0x3730  }
0x17: {  	s2 =	simm.s32 $0x0;
	s3 =	srdreg.scid;
	s1 =	stileid.u32;
	v9 =	vadd.s32 $0xF, v9;
	vm10 =	vmor vm8, vm3;
	vm3 =	vmor vm5, vm6  }
0x18: {  	s12 =	simm.s32 $0x1000;
	s4 =	sand.u32 $0x1, s3;
	s31 =	sshll.u32 s1, $0x1;
	vm6 =	vcmask $0x3330;
	vm5 =	vmor vm10, vm11;
	vm10 =	vcmask $0x1F10  }
0x19: {  	s13 =	simm.s32 $0x1800;
	s14 =	simm.s32 $0x2000;
	s5 =	sor.u32 s4, s31;
	vm11 =	vcmask $0x1F1C;
	vm5 =	vmor vm5, vm6;
	vm6 =	vcmask $0x3F30  }
0x1a: {  	s15 =	simm.s32 $0x0;
	[smem:$0x7FF] =	sst s2;
	s9 =	smul.u32 $0x30, s5;
	vm8 =	vmor vm8, vm11;
	vm11 =	vcmask $0x3734;
	vm4 =	vmor vm5, vm4  }
.Ltmp0:
0x1b: {  	s3 =	sadd.s32 $0x800, s6;
	_ =	strace $0x80000047;
	vm5 =	vmor vm10, vm6;
	vm6 =	vcmask $0x1F18;
	vm10 =	vcmask $0x2F28;
	(pc) =	sbr.rel .LBB2_1-.Ltmp0, $4  }
0x1c: {  	s7 =	ssub.s32 $0x2, s4;
	s4 =	sadd.s32 $0x600, s6;
	s11 =	smul.u32 $0x60, s5;
	vm7 =	vmor vm8, vm7;
	vm8 =	vcmask $0x2F2C;
	vm9 =	vmor vm9, vm6  }
0x1d: {  	s10 =	sshrl.u32 s7, $0x1;
	s5 =	sadd.s32 $0x400, s6;
	s6 =	sadd.s32 $0x200, s6;
	vm8 =	vmor vm7, vm8;
	vm9 =	vmor vm9, vm10;
	vm10 =	vcmask $0x3F38  }
0x1e: {  	s10 =	ssub.s32 s7, s10;
	s7 =	sadd.s32 $0x200, s9;
	s8 =	sadd.s32 s8, s11;
	vm7 =	vmor vm9, vm10;
	vm9 =	vmor vm8, vm11;
	vm10 =	vcmask $0x3F3C  }
0x1f: {  	s9 =	smax.u32 s10, $0x1;
	s10 =	simm.s32 $0x1;
	s11 =	simm.s32 $0x800;
	vm6 =	vcmask $0x2F10;
	vm8 =	vcmask $0x3F20;
	vm9 =	vmor vm9, vm10  }
.LBB2_7:
0x20: {  	s15 =	sadd.s32 $0x1, s15  }
0x21: {  	p0 =	sne.s32 s15, s9  }
.Ltmp1:
0x22: {  	_ = 	snop;
	(pc) =	sbr.rel @!p0 .LBB2_8-.Ltmp1, $4  }
0x23: {  	[hbm4b:s8+s2] =	stream.linear.scatter [tilespmem:s14], [sflag:$0x1], $0x300, $0x38;
	[tilespmem:$0x2400] =	vst v63  }
0x24: {  	_ =	swait.ge [sflag:s10], $0x300  }
0x25: {  	[sflag:s10] =	ssyncset.done $0x0  }
0x26: {  	[sflag:s10] =	ssyncadd.s32 $0xFFFFFD00  }
.LBB2_1:
0x27: {  	[tilespmem:s2], [sflag:$0x1] =	stream.linear.gather [hbm4b:s3+s2], $0x800, $0x38;
	[tilespmem:$0x2400] =	vst v63  }
0x28: {  	_ =	swait.ge [sflag:s10], $0x800  }
0x29: {  	[sflag:s10] =	ssyncset.done $0x0  }
0x2a: {  	[sflag:s10] =	ssyncadd.s32 $0xFFFFF800  }
0x2b: {  	[tilespmem:s11], [sflag:$0x1] =	stream.linear.gather [hbm4b:s4+s2], $0x800, $0x38;
	[tilespmem:$0x2400] =	vst v63  }
0x2c: {  	_ =	swait.ge [sflag:s10], $0x800  }
0x2d: {  	[sflag:s10] =	ssyncset.done $0x0  }
0x2e: {  	[sflag:s10] =	ssyncadd.s32 $0xFFFFF800  }
0x2f: {  	[tilespmem:s12], [sflag:$0x1] =	stream.linear.gather [hbm4b:s5+s2], $0x800, $0x38;
	[tilespmem:$0x2400] =	vst v63  }
0x30: {  	_ =	swait.ge [sflag:s10], $0x800  }
0x31: {  	[sflag:s10] =	ssyncset.done $0x0  }
.Ltmp2:
0x32: {  	[sflag:s10] =	ssyncadd.s32 $0xFFFFF800;
	(pc) =	sbr.rel .LBB2_2-.Ltmp2, $4  }
0x33: {  	[tilespmem:s13], [sflag:$0x1] =	stream.linear.gather [hbm4b:s6+s2], $0x800, $0x38;
	[tilespmem:$0x2400] =	vst v63  }
0x34: {  	_ =	swait.ge [sflag:s10], $0x800  }
0x35: {  	[sflag:s10] =	ssyncset.done $0x0  }
0x36: {  	s16 =	simm.s32 $0x0;
	[sflag:s10] =	ssyncadd.s32 $0xFFFFF800  }
.LBB2_6:
0x37: {  	s17 =	sshll.u32 s16, $0x4;
	s16 =	sadd.s32 $0x1, s16  }
0x38: {  	p0 =	sne.s32 s16, $0x30  }
.Ltmp3:
0x39: {  	_ = 	snop;
	(pc) =	sbr.rel @!p0 .LBB2_7-.Ltmp3, $3  }
0x3a: {  	_ =	sdelay $0x1  }
0x3b: {  	v10 =	vadd.s32 $0x3800, v15;
	s17 =	sand.u32 $0x3FFFFFF0, s17  }
0x3c: {  	[tilespmem:s17+$0x2000] =	vst v10  }
.LBB2_2:
0x3d: {  	s17 =	sadd.s32 s16, s7  }
0x3e: {  	s17 =	sand.u32 $0x7FFFFFF0, s17  }
0x3f: {  	v10 =	vld [tilespmem:s17+$0x0]  }
0x40: {  	v11 =	vld [tilespmem:s17+$0x800]  }
0x41: {  	v12 =	vld [tilespmem:s17+$0x1000]  }
0x42: {  	v13 =	vmov s16;
	v14 =	vld [tilespmem:s17+$0x1800]  }
.Ltmp4:
0x43: {  	v13 =	vand.u32 $0xF, v13;
	(pc) =	sbr.rel .LBB2_3-.Ltmp4, $3  }
0x44: {  	v13 =	vbroadcast v13, $0x0;
	_ =	sdelay $0x1  }
0x45: {  	v15 =	vimm.s32 $0x0;
	s18 =	simm.s32 $0x800;
	s19 =	simm.s32 $0x1000;
	[tilespmem:$0x2300] =	vst v2;
	v10 =	vperm.xlane v10, v13;
	v11 =	vperm.xlane v11, v13  }
0x46: {  	s20 =	simm.s32 $0x1800;
	s21 =	simm.s32 $0x0;
	s17 =	simm.s32 $0x0;
	[tilespmem:$0x2380] =	vst v15;
	v12 =	vperm.xlane v12, v13;
	v13 =	vperm.xlane v14, v13  }
.LBB2_5:
0x47: {  	s21 =	sadd.s32 $0x10, s21  }
0x48: {  	p0 =	sne.s32 s21, $0x800  }
.Ltmp5:
0x49: {  	_ = 	snop;
	(pc) =	sbr.rel @!p0 .LBB2_6-.Ltmp5, $3  }
0x4a: {  	_ =	sdelay $0x1  }
0x4b: {  	s17 =	sadd.s32 $0x10, s17  }
0x4c: {  	s18 =	sadd.s32 $0x10, s18;
	s19 =	sadd.s32 $0x10, s19;
	s20 =	sadd.s32 $0x10, s20  }
.LBB2_3:
0x4d: {  	v14 =	vld [tilespmem:s17+$0x0]  }
0x4e: {  	v16 =	vld [tilespmem:s18+$0x0];
	_ =	sdelay $0x1  }
0x4f: {  	v17 =	vld [tilespmem:s19+$0x0];
	_ =	sdelay $0x2  }
0x50: {  	v14 =	vmul.f32 v14, v10;
	v16 =	vmul.f32 v16, v11  }
0x51: {  	v18 =	vld [tilespmem:s20+$0x0]  }
0x52: {  	v14 =	vadd.f32 v16, v14;
	v16 =	vmul.f32 v17, v12;
	_ =	sdelay $0x1  }
0x53: {  	v14 =	vadd.f32 v16, v14;
	_ =	sdelay $0x1  }
0x54: {  	v16 =	vadd.f32 v18, v13;
	v14 =	vadd.f32 v14, v14;
	_ =	sdelay $0x1  }
0x55: {  	v16 =	vsub.f32 v16, v14;
	_ =	sdelay $0x1  }
0x56: {  	v14 =	vperm.xlane v16, v0;
	_ =	sdelay $0x1  }
0x57: {  	v14 =	vmin.f32 v16, v14  }
0x58: {  	v17 =	vperm.xlane v14, v1;
	_ =	sdelay $0x1  }
0x59: {  	v14 =	vmin.f32 v14, v17  }
0x5a: {  	v17 =	vperm.xlane v14, v3;
	_ =	sdelay $0x1  }
0x5b: {  	v17 =	vmin.f32 v14, v17;
	v14 =	vld [tilespmem:$0x2300]  }
0x5c: {  	v18 =	vperm.xlane v17, v4;
	_ =	sdelay $0x1  }
0x5d: {  	v17 =	vmin.f32 v17, v18  }
0x5e: {  	(v2sf) =	vpush v17, $0x0  }
0x5f: {  	(v2sf) =	vpush v14, $0xF;
	_ =	sdelay $0xd  }
0x60: {  	s22 =	spop (v2sf)  }
0x61: {  	s23 =	spop (v2sf)  }
0x62: {  	p0 =	slt.f32 s22, s23  }
.Ltmp6:
0x63: {  	_ = 	snop;
	(pc) =	sbr.rel @!p0 .LBB2_5-.Ltmp6, $1  }
0x64: {  	_ =	sdelay $0x3  }
0x65: {  	v15 =	vor.u32 s21, v5  }
0x66: {  	v17 =	vperm.xlane v16, v6;
	v18 =	vperm.xlane v15, v6;
	_ =	sdelay $0x1  }
0x67: {  	vm10 =	veq.f32 v16, v17;
	vm11 =	vlt.s32 v15, v18  }
0x68: {  	vm12 =	vlt.f32 v16, v17;
	vm10 =	vmand vm10, vm11  }
0x69: {  	vm10 =	vmor vm12, vm10  }
0x6a: {  	vm10 =	vmxor vm10, vm0  }
0x6b: {  	v16 =	vsel vm10, v16, v17;
	v15 =	vsel vm10, v15, v18  }
0x6c: {  	v17 =	vperm.xlane v16, v7;
	v18 =	vperm.xlane v15, v7;
	_ =	sdelay $0x1  }
0x6d: {  	vm10 =	veq.f32 v16, v17;
	vm11 =	vlt.s32 v15, v18  }
0x6e: {  	vm12 =	vlt.f32 v16, v17;
	vm10 =	vmand vm10, vm11  }
0x6f: {  	vm10 =	vmor vm12, vm10  }
0x70: {  	vm10 =	vmxor vm10, vm1  }
0x71: {  	v16 =	vsel vm10, v16, v17;
	v15 =	vsel vm10, v15, v18  }
0x72: {  	v17 =	vperm.xlane v16, v6;
	v18 =	vperm.xlane v15, v6;
	_ =	sdelay $0x1  }
0x73: {  	vm10 =	veq.f32 v16, v17;
	vm11 =	vlt.s32 v15, v18  }
0x74: {  	vm12 =	vlt.f32 v16, v17;
	vm10 =	vmand vm10, vm11  }
0x75: {  	vm10 =	vmor vm12, vm10  }
0x76: {  	vm10 =	vmxor vm10, vm2  }
0x77: {  	v16 =	vsel vm10, v16, v17;
	v15 =	vsel vm10, v15, v18  }
0x78: {  	v17 =	vperm.xlane v16, v8;
	v18 =	vperm.xlane v15, v8;
	_ =	sdelay $0x1  }
0x79: {  	vm10 =	veq.f32 v16, v17;
	vm11 =	vlt.s32 v15, v18  }
0x7a: {  	vm12 =	vlt.f32 v16, v17;
	vm10 =	vmand vm10, vm11  }
0x7b: {  	vm10 =	vmor vm12, vm10  }
0x7c: {  	vm10 =	vmxor vm10, vm6  }
0x7d: {  	v16 =	vsel vm10, v16, v17;
	v15 =	vsel vm10, v15, v18  }
0x7e: {  	v17 =	vperm.xlane v16, v7;
	v18 =	vperm.xlane v15, v7;
	_ =	sdelay $0x1  }
0x7f: {  	vm10 =	veq.f32 v16, v17;
	vm11 =	vlt.s32 v15, v18  }
0x80: {  	vm12 =	vlt.f32 v16, v17;
	vm10 =	vmand vm10, vm11  }
0x81: {  	vm10 =	vmor vm12, vm10  }
0x82: {  	vm10 =	vmxor vm10, vm3  }
0x83: {  	v16 =	vsel vm10, v16, v17;
	v15 =	vsel vm10, v15, v18  }
0x84: {  	v17 =	vperm.xlane v16, v6;
	v18 =	vperm.xlane v15, v6;
	_ =	sdelay $0x1  }
0x85: {  	vm10 =	veq.f32 v16, v17;
	vm11 =	vlt.s32 v15, v18  }
0x86: {  	vm12 =	vlt.f32 v16, v17;
	vm10 =	vmand vm10, vm11  }
0x87: {  	vm10 =	vmor vm12, vm10  }
0x88: {  	vm10 =	vmxor vm10, vm4  }
0x89: {  	v16 =	vsel vm10, v16, v17;
	v15 =	vsel vm10, v15, v18  }
0x8a: {  	v17 =	vperm.xlane v16, v0;
	v18 =	vperm.xlane v15, v0;
	_ =	sdelay $0x1  }
0x8b: {  	vm10 =	veq.f32 v16, v17;
	vm11 =	vlt.s32 v15, v18  }
0x8c: {  	vm12 =	vlt.f32 v16, v17;
	vm10 =	vmand vm10, vm11  }
0x8d: {  	vm10 =	vmor vm12, vm10  }
0x8e: {  	vm10 =	vmxor vm10, vm8  }
0x8f: {  	v16 =	vsel vm10, v16, v17;
	v15 =	vsel vm10, v15, v18  }
0x90: {  	v17 =	vperm.xlane v16, v8;
	v18 =	vperm.xlane v15, v8;
	_ =	sdelay $0x1  }
0x91: {  	vm10 =	veq.f32 v16, v17;
	vm11 =	vlt.s32 v15, v18  }
0x92: {  	vm12 =	vlt.f32 v16, v17;
	vm10 =	vmand vm10, vm11  }
0x93: {  	vm10 =	vmor vm12, vm10  }
0x94: {  	vm10 =	vmxor vm10, vm5  }
0x95: {  	v16 =	vsel vm10, v16, v17;
	v15 =	vsel vm10, v15, v18  }
0x96: {  	v17 =	vperm.xlane v16, v7;
	v18 =	vperm.xlane v15, v7;
	_ =	sdelay $0x1  }
0x97: {  	vm10 =	veq.f32 v16, v17;
	vm11 =	vlt.s32 v15, v18  }
0x98: {  	vm12 =	vlt.f32 v16, v17;
	vm10 =	vmand vm10, vm11  }
0x99: {  	vm10 =	vmor vm12, vm10  }
0x9a: {  	vm10 =	vmxor vm10, vm7  }
0x9b: {  	v16 =	vsel vm10, v16, v17;
	v15 =	vsel vm10, v15, v18  }
0x9c: {  	v17 =	vperm.xlane v16, v6;
	v18 =	vperm.xlane v15, v6;
	_ =	sdelay $0x1  }
0x9d: {  	vm10 =	veq.f32 v16, v17;
	vm11 =	vlt.s32 v15, v18  }
0x9e: {  	vm12 =	vlt.f32 v16, v17;
	vm10 =	vmand vm10, vm11  }
0x9f: {  	vm10 =	vmor vm12, vm10  }
0xa0: {  	v19 =	vld [tilespmem:$0x2380];
	vm10 =	vmxor vm10, vm9  }
0xa1: {  	v16 =	vsel vm10, v16, v17  }
0xa2: {  	v15 =	vsel vm10, v15, v18;
	v16 =	vperm.xlane v16, v9  }
0xa3: {  	v15 =	vperm.xlane v15, v9  }
0xa4: {  	vm10 =	vle.f32 v14, v16  }
0xa5: {  	v14 =	vsel vm10, v14, v16;
	v15 =	vsel vm10, v19, v15  }
0xa6: {  	v16 =	vperm.xlane v14, v0;
	v17 =	vperm.xlane v15, v0;
	_ =	sdelay $0x1  }
0xa7: {  	vm10 =	veq.f32 v14, v16;
	vm11 =	vlt.s32 v15, v17  }
0xa8: {  	vm12 =	vlt.f32 v14, v16;
	vm10 =	vmand vm10, vm11  }
0xa9: {  	vm10 =	vmor vm12, vm10  }
0xaa: {  	vm10 =	vmxor vm10, vm8  }
0xab: {  	v14 =	vsel vm10, v14, v16;
	v15 =	vsel vm10, v15, v17  }
0xac: {  	v16 =	vperm.xlane v14, v8;
	v17 =	vperm.xlane v15, v8;
	_ =	sdelay $0x1  }
0xad: {  	vm10 =	veq.f32 v14, v16;
	vm11 =	vlt.s32 v15, v17  }
0xae: {  	vm12 =	vlt.f32 v14, v16;
	vm10 =	vmand vm10, vm11  }
0xaf: {  	vm10 =	vmor vm12, vm10  }
0xb0: {  	vm10 =	vmxor vm10, vm5  }
0xb1: {  	v14 =	vsel vm10, v14, v16;
	v15 =	vsel vm10, v15, v17  }
0xb2: {  	v16 =	vperm.xlane v14, v7;
	v17 =	vperm.xlane v15, v7;
	_ =	sdelay $0x1  }
0xb3: {  	vm10 =	veq.f32 v14, v16;
	vm11 =	vlt.s32 v15, v17  }
0xb4: {  	vm12 =	vlt.f32 v14, v16;
	vm10 =	vmand vm10, vm11  }
0xb5: {  	vm10 =	vmor vm12, vm10  }
0xb6: {  	vm10 =	vmxor vm10, vm7  }
0xb7: {  	v14 =	vsel vm10, v14, v16;
	v15 =	vsel vm10, v15, v17  }
0xb8: {  	v16 =	vperm.xlane v14, v6;
	v17 =	vperm.xlane v15, v6;
	_ =	sdelay $0x1  }
0xb9: {  	vm10 =	veq.f32 v14, v16;
	vm11 =	vlt.s32 v15, v17  }
0xba: {  	vm12 =	vlt.f32 v14, v16;
	vm10 =	vmand vm10, vm11  }
.Ltmp7:
0xbb: {  	vm10 =	vmor vm12, vm10;
	(pc) =	sbr.rel .LBB2_5-.Ltmp7, $4  }
0xbc: {  	vm10 =	vmxor vm10, vm9  }
0xbd: {  	v14 =	vsel vm10, v14, v16  }
0xbe: {  	v15 =	vsel vm10, v15, v17;
	[tilespmem:$0x2300] =	vst v14  }
0xbf: {  	[tilespmem:$0x2380] =	vst v15  }
.LBB2_8:
0xc0: {  	_ =	sfence.sel $0x180000  }
0xc1: {  	[bflag:$0x0] =	sbarrier.arrive $0xFFFF  }
0xc2: {  	p0 =	sne.s32 s1, $0x0;
	_ =	strace $0x90000047  }
0xc3: {  	s0 =	sadd.s32 @!p0 $0x100000, s0;
	[bflag:$0x2] =	sbarrier.arrive $0xFFFF  }
0xc4: {  	[sflag:s0] =	ssyncadd.tile.s32 @!p0 $0x1;
	_ =	shalt  }
.Lfunc_end2:
_tile_overlayer_lowered:
.L_overlay_start_2:
0xc5: {  	(tag) =	ssettag $0x2  }
0xc6: {  	s0 =	rddreg [dreg:$0x0];
	s2 =	stileid.u32  }
0xc7: {  	s1 =	rddreg [dreg:$0x1];
	p0 =	sne.s32 s2, $0x0  }
0xc8: {  	s3 =	rddreg [dreg:$0x2];
	[bflag:$0x3] =	sbarrier.arrive $0xFFFF;
	s2 =	simm.s32 @!p0 $0x1C01  }
0xc9: {  	[timem:s3], [sflag:s2] =	dma.local @!p0 [hbm:s0], s1  }
0xca: {  	s0 =	simm.s32 @!p0 $0x1  }
0xcb: {  	_ =	swait.ge @!p0 [sflag:s0], s1  }
0xcc: {  	s1 =	ssub.s32 @!p0 $0x0, s1;
	[sflag:s0] =	ssyncset.done @!p0 $0x0  }
0xcd: {  	[sflag:s0] =	ssyncadd.s32 @!p0 s1  }
0xce: {  	[bflag:$0x3] =	sbarrier.arrive $0xFFFF  }
0xcf: {  	_ =	shalt  }

</sc_bundles>
